<compile_context>
chip_gen: v7x
topology: tpu7x:2x2x1
jax: 0.10.2.dev20260603
libtpu: 0.0.44.dev20260713+nightly
codegen_flags: <defaults>
</compile_context>

<pallas_src>
import jax
import jax.numpy as jnp
from jax import lax
from jax.experimental import pallas as pl
from jax.experimental.pallas import tpu as pltpu
from jax.experimental.pallas import tpu_sc as plsc

_N = 4096
_NW = 32
_RPW = _N // _NW
_H = 4
_NG = _RPW // (2 * _H)
_HO = _H * (_N - 1)
_AW = _HO - 4
_BW = _HO + 4
_HW = 16384


def _rsqrt1(x):
    i = lax.bitcast_convert_type(x, jnp.int32)
    y = lax.bitcast_convert_type(
        jnp.int32(0x5F3759DF) - lax.shift_right_arithmetic(i, 1), jnp.float32
    )
    h = 0.5 * x
    return y * (1.5 - h * y * y)


def _compute_half(sig, mud_st, sd_st, djv, mujv, j0h, lane0, shift, mu_v, d_v):
    djs = [jnp.broadcast_to(djv[lane0 + r], (16,)) for r in range(_H)]
    mujs = [jnp.broadcast_to(mujv[lane0 + r], (16,)) for r in range(_H)]
    iota = lax.iota(jnp.int32, 16)

    @plsc.parallel_loop(0, _N // 16, step=1, unroll=4)
    def body(t):
        t16 = t * 16
        kv = iota + t16
        w = d_v[pl.ds(t16, 16)]
        m = mu_v[pl.ds(t16, 16)]
        c = t // 8
        u16 = (t % 8) * 16
        for r in range(_H):
            j = j0h + r
            s = sig[c, r, pl.ds(u16, 16)]
            raw = (djs[r] + w) - 2.0 * s
            sdv = raw * _rsqrt1(raw)
            mudv = mujs[r] - m
            gt = jnp.where(kv > j, 1, 0)
            cidx = (kv + (r * (_N - 1) + shift)) - gt
            mask = kv != j
            plsc.store_scatter(sd_st, [cidx], sdv, mask=mask)
            plsc.store_scatter(mud_st, [cidx], mudv, mask=mask)


def _differ_body(mu_hbm, sig4, d_hbm, mud_hbm, sd_hbm,
                 mu_v, d_v, sig_a, sig_b,
                 mud_a, sd_a, mud_b, sd_b,
                 sem_d, sem_la, sem_lb, sem_sa, sem_sb):
    wid = lax.axis_index("s") * 2 + lax.axis_index("c")
    row0 = wid * _RPW

    pltpu.async_copy(d_hbm, d_v, sem_d)
    pltpu.sync_copy(mu_hbm, mu_v)
    pltpu.make_async_copy(d_hbm, d_v, sem_d).wait()

    a0 = wid * (_RPW // 8)
    pltpu.async_copy(sig4.at[a0, :, pl.ds(0, _H), :], sig_a, sem_la)

    def group(g, _):
        j0 = row0 + 8 * g
        djv = d_v[pl.ds(j0, 16)]
        mujv = mu_v[pl.ds(j0, 16)]

        aa = a0 + g
        pltpu.async_copy(sig4.at[aa, :, pl.ds(_H, _H), :], sig_b, sem_lb)
        pltpu.make_async_copy(
            sig4.at[aa, :, pl.ds(0, _H), :], sig_a, sem_la
        ).wait()

        @pl.when(g > 0)
        def _():
            pltpu.make_async_copy(
                mud_a.at[pl.ds(0, _AW)],
                mud_hbm.at[pl.ds(j0 * (_N - 1), _AW)], sem_sa).wait()
            pltpu.make_async_copy(
                sd_a.at[pl.ds(0, _AW)],
                sd_hbm.at[pl.ds(j0 * (_N - 1), _AW)], sem_sa).wait()

        _compute_half(sig_a, mud_a, sd_a, djv, mujv, j0, 0, 0, mu_v, d_v)
        pltpu.async_copy(
            mud_a.at[pl.ds(0, _AW)],
            mud_hbm.at[pl.ds(j0 * (_N - 1), _AW)], sem_sa)
        pltpu.async_copy(
            sd_a.at[pl.ds(0, _AW)],
            sd_hbm.at[pl.ds(j0 * (_N - 1), _AW)], sem_sa)

        @pl.when(g < _NG - 1)
        def _():
            pltpu.async_copy(sig4.at[aa + 1, :, pl.ds(0, _H), :], sig_a, sem_la)

        pltpu.make_async_copy(
            sig4.at[aa, :, pl.ds(_H, _H), :], sig_b, sem_lb
        ).wait()

        @pl.when(g > 0)
        def _():
            pltpu.make_async_copy(
                mud_b.at[pl.ds(0, _BW)],
                mud_hbm.at[pl.ds(j0 * (_N - 1) + _AW, _BW)], sem_sb).wait()
            pltpu.make_async_copy(
                sd_b.at[pl.ds(0, _BW)],
                sd_hbm.at[pl.ds(j0 * (_N - 1) + _AW, _BW)], sem_sb).wait()

        _compute_half(sig_b, mud_b, sd_b, djv, mujv, j0 + _H, _H, 4, mu_v, d_v)
        iota16 = lax.iota(jnp.int32, 16)
        bmask = jnp.logical_and(iota16 >= 8, iota16 < 12)
        bidx = iota16 - 8
        plsc.store_scatter(mud_b, [bidx], mud_a[pl.ds(16368, 16)], mask=bmask)
        plsc.store_scatter(sd_b, [bidx], sd_a[pl.ds(16368, 16)], mask=bmask)
        pltpu.async_copy(
            mud_b.at[pl.ds(0, _BW)],
            mud_hbm.at[pl.ds(j0 * (_N - 1) + _AW, _BW)], sem_sb)
        pltpu.async_copy(
            sd_b.at[pl.ds(0, _BW)],
            sd_hbm.at[pl.ds(j0 * (_N - 1) + _AW, _BW)], sem_sb)
        return 0

    lax.fori_loop(0, _NG, group, 0)

    last = row0 + 8 * (_NG - 1)
    pltpu.make_async_copy(
        mud_a.at[pl.ds(0, _AW)],
        mud_hbm.at[pl.ds(last * (_N - 1), _AW)], sem_sa).wait()
    pltpu.make_async_copy(
        sd_a.at[pl.ds(0, _AW)],
        sd_hbm.at[pl.ds(last * (_N - 1), _AW)], sem_sa).wait()
    pltpu.make_async_copy(
        mud_b.at[pl.ds(0, _BW)],
        mud_hbm.at[pl.ds(last * (_N - 1) + _AW, _BW)], sem_sb).wait()
    pltpu.make_async_copy(
        sd_b.at[pl.ds(0, _BW)],
        sd_hbm.at[pl.ds(last * (_N - 1) + _AW, _BW)], sem_sb).wait()


_BR = 256


def _diag_body(sig_blk, d_out):
    r = lax.broadcasted_iota(jnp.int32, (_BR, _BR), 0)
    c = lax.broadcasted_iota(jnp.int32, (_BR, _BR), 1)
    d_out[...] = jnp.sum(
        jnp.where(r == c, sig_blk[...], 0.0), axis=1, keepdims=True
    )


def kernel(mu, Sigma):
    n = _N
    d_col = pl.pallas_call(
        _diag_body,
        grid=(n // _BR,),
        in_specs=[pl.BlockSpec((_BR, _BR), lambda i: (i, i))],
        out_specs=pl.BlockSpec((_BR, 1), lambda i: (i, 0)),
        out_shape=jax.ShapeDtypeStruct((n, 1), jnp.float32),
    )(Sigma)
    d1 = d_col.reshape(n)
    sig4 = Sigma.reshape(n // 8, 8, n // 128, 128).transpose(0, 2, 1, 3)
    mesh = plsc.VectorSubcoreMesh(core_axis_name="c", subcore_axis_name="s")
    mud2, sd2 = pl.kernel(
        _differ_body,
        mesh=mesh,
        compiler_params=pltpu.CompilerParams(needs_layout_passes=False),
        out_type=[
            jax.ShapeDtypeStruct((n * (n - 1),), jnp.float32),
            jax.ShapeDtypeStruct((n * (n - 1),), jnp.float32),
        ],
        scratch_types=[
            pltpu.VMEM((n,), jnp.float32),
            pltpu.VMEM((n,), jnp.float32),
            pltpu.VMEM((32, _H, 128), jnp.float32),
            pltpu.VMEM((32, _H, 128), jnp.float32),
            pltpu.VMEM((_HW,), jnp.float32),
            pltpu.VMEM((_HW,), jnp.float32),
            pltpu.VMEM((_HW,), jnp.float32),
            pltpu.VMEM((_HW,), jnp.float32),
            pltpu.SemaphoreType.DMA,
            pltpu.SemaphoreType.DMA,
            pltpu.SemaphoreType.DMA,
            pltpu.SemaphoreType.DMA,
            pltpu.SemaphoreType.DMA,
        ],
    )(mu, sig4, d1)
    return mud2, sd2

# --- scband reference (transcript-rebuilt; emitter-appended) ---
"""Pipeline reference for scband-differ-15857019257376 (READ-ONLY COPY).

The authoritative reference and input builder live on the scoring server;
editing this copy changes nothing except your own understanding.
"""

import jax, jax.numpy as jnp
import numpy as np

N = 4096

def _pair_indices(n):
    jk = np.indices((n, n)).reshape(2, -1)
    mask = jk[0] != jk[1]
    return jnp.asarray(jk[0][mask]), jnp.asarray(jk[1][mask])

def setup_inputs(seed: int = 0) -> dict:
    key = jax.random.key(seed)
    k1, k2 = jax.random.split(key)
    mu = jax.random.normal(k1, (N,), dtype=jnp.float32)
    # Build a positive-definite covariance so that the pairwise difference
    # variance sigma_d = v^T Sigma v (v = e_j - e_k) is strictly positive,
    # keeping sqrt well-defined (matches the module's intended use on a
    # covariance matrix).
    A = jax.random.normal(k2, (N, 32), dtype=jnp.float32)
    Sigma = (A @ A.T) / 32.0 + 0.5 * jnp.eye(N, dtype=jnp.float32)
    return {"mu": mu, "Sigma": Sigma}

def reference(mu, Sigma):
    n = mu.shape[0]
    j, k = _pair_indices(n)
    mud = mu[j] - mu[k]
    sd = Sigma[j, j] - Sigma[j, k] - Sigma[k, j] + Sigma[k, k]
    return (mud, sd ** 0.5)

if __name__ == "__main__":
    import jax
    _d = setup_inputs()
    print(jax.jit(kernel)(*tuple(_d.values())))

</pallas_src>

<mosaic_0001>
#map = affine_map<(d0, d1) -> (0)>
#map1 = affine_map<(d0, d1) -> (0, 0, 0, 0)>
module attributes {stable_mosaic.version = 14 : i64} {
  func.func @_differ_body(%arg0: i32, %arg1: i32, %arg2: memref<4096xf32, #tpu.memory_space<hbm>>, %arg3: memref<512x32x8x128xf32, #tpu.memory_space<hbm>>, %arg4: memref<4096xf32, #tpu.memory_space<hbm>>, %arg5: memref<16773120xf32, #tpu.memory_space<hbm>>, %arg6: memref<16773120xf32, #tpu.memory_space<hbm>>, %arg7: memref<4096xf32, #tpu.memory_space<vmem>>, %arg8: memref<4096xf32, #tpu.memory_space<vmem>>, %arg9: memref<32x4x128xf32, #tpu.memory_space<vmem>>, %arg10: memref<32x4x128xf32, #tpu.memory_space<vmem>>, %arg11: memref<16384xf32, #tpu.memory_space<vmem>>, %arg12: memref<16384xf32, #tpu.memory_space<vmem>>, %arg13: memref<16384xf32, #tpu.memory_space<vmem>>, %arg14: memref<16384xf32, #tpu.memory_space<vmem>>, %arg15: memref<!tpu.dma_semaphore, #tpu.memory_space<semaphore_mem>>, %arg16: memref<!tpu.dma_semaphore, #tpu.memory_space<semaphore_mem>>, %arg17: memref<!tpu.dma_semaphore, #tpu.memory_space<semaphore_mem>>, %arg18: memref<!tpu.dma_semaphore, #tpu.memory_space<semaphore_mem>>, %arg19: memref<!tpu.dma_semaphore, #tpu.memory_space<semaphore_mem>>) attributes {dimension_semantics = [#tpu.dimension_semantics<core_parallel>, #tpu.dimension_semantics<subcore_parallel>], iteration_bounds = array<i64: 2, 16>, scalar_prefetch = 0 : i64, scratch_operands = 13 : i64, tpu.core_type = #tpu.core_type<sc_vector_subcore>, window_params = [{transform_indices = #map}, {transform_indices = #map1}, {transform_indices = #map}, {transform_indices = #map}, {transform_indices = #map}]} {
    %mul3A = arith.constant 2 : i32
    %mul3A_0 = arith.muli %arg1, %mul3A : i32
    %add3A = arith.addi %mul3A_0, %arg0 : i32
    %mul3A_1 = arith.constant 128 : i32
    %mul3A_2 = arith.muli %add3A, %mul3A_1 : i32
    tpu.enqueue_dma source(%arg4 : memref<4096xf32, #tpu.memory_space<hbm>>) target(%arg8 : memref<4096xf32, #tpu.memory_space<vmem>>) target_semaphore(%arg15 : memref<!tpu.dma_semaphore, #tpu.memory_space<semaphore_mem>>)
    "tpu.region"() ({
      %run_scoped3A = tpu.sem_alloc : memref<!tpu.dma_semaphore, #tpu.memory_space<semaphore_mem>>
      tpu.enqueue_dma source(%arg2 : memref<4096xf32, #tpu.memory_space<hbm>>) target(%arg7 : memref<4096xf32, #tpu.memory_space<vmem>>) target_semaphore(%run_scoped3A : memref<!tpu.dma_semaphore, #tpu.memory_space<semaphore_mem>>)
      tpu.wait_dma2 semaphore(%run_scoped3A : memref<!tpu.dma_semaphore, #tpu.memory_space<semaphore_mem>>) src(%arg2 : memref<4096xf32, #tpu.memory_space<hbm>>) dst(%arg7 : memref<4096xf32, #tpu.memory_space<vmem>>)
      tpu.yield
    }) : () -> ()
    tpu.wait_dma2 semaphore(%arg15 : memref<!tpu.dma_semaphore, #tpu.memory_space<semaphore_mem>>) src(%arg4 : memref<4096xf32, #tpu.memory_space<hbm>>) dst(%arg8 : memref<4096xf32, #tpu.memory_space<vmem>>)
    %mul3A_3 = arith.constant 16 : i32
    %mul3A_4 = arith.muli %add3A, %mul3A_3 : i32
    %dma_start3A = arith.constant 0 : i32
    %dma_start3A_5 = arith.constant 0 : i32
    %dma_start3A_6 = arith.constant 0 : i32
    %dma_start3A_7 = tpu.memref_slice %arg3[%mul3A_4, %dma_start3A, %dma_start3A_5, %dma_start3A_6] : memref<512x32x8x128xf32, #tpu.memory_space<hbm>> -> memref<1x32x4x128xf32, #tpu.memory_space<hbm>>
    %dma_start3A_8 = tpu.memref_squeeze %dma_start3A_7 : memref<1x32x4x128xf32, #tpu.memory_space<hbm>> -> memref<32x4x128xf32, #tpu.memory_space<hbm>>
    %dma_start3A_9 = arith.constant 0 : i32
    %dma_start3A_10 = arith.constant 0 : i32
    %dma_start3A_11 = arith.constant 0 : i32
    %dma_start3A_12 = tpu.memref_slice %arg3[%mul3A_4, %dma_start3A_9, %dma_start3A_10, %dma_start3A_11] : memref<512x32x8x128xf32, #tpu.memory_space<hbm>> -> memref<1x32x4x128xf32, #tpu.memory_space<hbm>>
    %dma_start3A_13 = tpu.memref_squeeze %dma_start3A_12 : memref<1x32x4x128xf32, #tpu.memory_space<hbm>> -> memref<32x4x128xf32, #tpu.memory_space<hbm>>
    tpu.enqueue_dma source(%dma_start3A_13 : memref<32x4x128xf32, #tpu.memory_space<hbm>>) target(%arg9 : memref<32x4x128xf32, #tpu.memory_space<vmem>>) target_semaphore(%arg16 : memref<!tpu.dma_semaphore, #tpu.memory_space<semaphore_mem>>)
    %scan3A = arith.constant 0 : i32
    %scan3A_14 = arith.constant 0 : i32
    %scan3A_15 = arith.constant 16 : i32
    %scan3A_16 = arith.addi %scan3A_14, %scan3A_15 : i32
    %scan3A_17 = arith.constant 1 : i32
    %scan3A_18 = scf.for %scan3A_57 = %scan3A_14 to %scan3A_16 step %scan3A_17 iter_args(%scan3A_58 = %scan3A) -> (i32)  : i32 {
      %mul3A_59 = arith.constant 8 : i32
      %mul3A_60 = arith.muli %mul3A_59, %scan3A_57 : i32
      %add3A_61 = arith.addi %mul3A_2, %mul3A_60 : i32
      %get3A = arith.index_cast %add3A_61 : i32 to index
      %get3A_62 = tpu.vector_load %arg8[%get3A] {strides = array<i32>} : memref<4096xf32, #tpu.memory_space<vmem>>, vector<16xf32>,
      %get3A_63 = arith.index_cast %add3A_61 : i32 to index
      %get3A_64 = tpu.vector_load %arg7[%get3A_63] {strides = array<i32>} : memref<4096xf32, #tpu.memory_space<vmem>>, vector<16xf32>,
      %add3A_65 = arith.addi %mul3A_4, %scan3A_57 : i32
      %dma_start3A_66 = arith.constant 0 : i32
      %dma_start3A_67 = arith.constant 4 : i32
      %dma_start3A_68 = arith.constant 0 : i32
      %dma_start3A_69 = tpu.memref_slice %arg3[%add3A_65, %dma_start3A_66, %dma_start3A_67, %dma_start3A_68] : memref<512x32x8x128xf32, #tpu.memory_space<hbm>> -> memref<1x32x4x128xf32, #tpu.memory_space<hbm>>
      %dma_start3A_70 = tpu.memref_squeeze %dma_start3A_69 : memref<1x32x4x128xf32, #tpu.memory_space<hbm>> -> memref<32x4x128xf32, #tpu.memory_space<hbm>>
      %dma_start3A_71 = arith.constant 0 : i32
      %dma_start3A_72 = arith.constant 4 : i32
      %dma_start3A_73 = arith.constant 0 : i32
      %dma_start3A_74 = tpu.memref_slice %arg3[%add3A_65, %dma_start3A_71, %dma_start3A_72, %dma_start3A_73] : memref<512x32x8x128xf32, #tpu.memory_space<hbm>> -> memref<1x32x4x128xf32, #tpu.memory_space<hbm>>
      %dma_start3A_75 = tpu.memref_squeeze %dma_start3A_74 : memref<1x32x4x128xf32, #tpu.memory_space<hbm>> -> memref<32x4x128xf32, #tpu.memory_space<hbm>>
      tpu.enqueue_dma source(%dma_start3A_75 : memref<32x4x128xf32, #tpu.memory_space<hbm>>) target(%arg10 : memref<32x4x128xf32, #tpu.memory_space<vmem>>) target_semaphore(%arg17 : memref<!tpu.dma_semaphore, #tpu.memory_space<semaphore_mem>>)
      %dma_wait3A_76 = arith.constant 0 : i32
      %dma_wait3A_77 = arith.constant 0 : i32
      %dma_wait3A_78 = arith.constant 0 : i32
      %dma_wait3A_79 = tpu.memref_slice %arg3[%add3A_65, %dma_wait3A_76, %dma_wait3A_77, %dma_wait3A_78] : memref<512x32x8x128xf32, #tpu.memory_space<hbm>> -> memref<1x32x4x128xf32, #tpu.memory_space<hbm>>
      %dma_wait3A_80 = tpu.memref_squeeze %dma_wait3A_79 : memref<1x32x4x128xf32, #tpu.memory_space<hbm>> -> memref<32x4x128xf32, #tpu.memory_space<hbm>>
      %dma_wait3A_81 = arith.constant 0 : i32
      %dma_wait3A_82 = arith.constant 0 : i32
      %dma_wait3A_83 = arith.constant 0 : i32
      %dma_wait3A_84 = tpu.memref_slice %arg3[%add3A_65, %dma_wait3A_81, %dma_wait3A_82, %dma_wait3A_83] : memref<512x32x8x128xf32, #tpu.memory_space<hbm>> -> memref<1x32x4x128xf32, #tpu.memory_space<hbm>>
      %dma_wait3A_85 = tpu.memref_squeeze %dma_wait3A_84 : memref<1x32x4x128xf32, #tpu.memory_space<hbm>> -> memref<32x4x128xf32, #tpu.memory_space<hbm>>
      tpu.wait_dma2 semaphore(%arg16 : memref<!tpu.dma_semaphore, #tpu.memory_space<semaphore_mem>>) src(%dma_wait3A_85 : memref<32x4x128xf32, #tpu.memory_space<hbm>>) dst(%arg9 : memref<32x4x128xf32, #tpu.memory_space<vmem>>)
      %gt3A = arith.constant 0 : i32
      %gt3A_86 = arith.cmpi sgt, %scan3A_57, %gt3A : i32
      %convert_element_type3A = arith.extui %gt3A_86 : i1 to i32
      %cond3A = arith.constant 0 : i32
      %cond3A_87 = arith.cmpi ne, %convert_element_type3A, %cond3A : i32
      scf.if %cond3A_87 {
        %mul3A_209 = arith.constant 4095 : i32
        %mul3A_210 = arith.muli %add3A_61, %mul3A_209 : i32
        %dma_wait3A_211 = arith.constant 0 : i32
        %dma_wait3A_212 = tpu.memref_slice %arg11[%dma_wait3A_211] : memref<16384xf32, #tpu.memory_space<vmem>> -> memref<16376xf32, #tpu.memory_space<vmem>>
        %dma_wait3A_213 = tpu.memref_slice %arg5[%mul3A_210] : memref<16773120xf32, #tpu.memory_space<hbm>> -> memref<16376xf32, #tpu.memory_space<hbm>>
        %dma_wait3A_214 = tpu.memref_slice %arg5[%mul3A_210] : memref<16773120xf32, #tpu.memory_space<hbm>> -> memref<16376xf32, #tpu.memory_space<hbm>>
        %dma_wait3A_215 = arith.constant 0 : i32
        %dma_wait3A_216 = tpu.memref_slice %arg11[%dma_wait3A_215] : memref<16384xf32, #tpu.memory_space<vmem>> -> memref<16376xf32, #tpu.memory_space<vmem>>
        tpu.wait_dma2 semaphore(%arg18 : memref<!tpu.dma_semaphore, #tpu.memory_space<semaphore_mem>>) src(%dma_wait3A_216 : memref<16376xf32, #tpu.memory_space<vmem>>) dst(%dma_wait3A_214 : memref<16376xf32, #tpu.memory_space<hbm>>)
        %mul3A_217 = arith.constant 4095 : i32
        %mul3A_218 = arith.muli %add3A_61, %mul3A_217 : i32
        %dma_wait3A_219 = arith.constant 0 : i32
        %dma_wait3A_220 = tpu.memref_slice %arg12[%dma_wait3A_219] : memref<16384xf32, #tpu.memory_space<vmem>> -> memref<16376xf32, #tpu.memory_space<vmem>>
        %dma_wait3A_221 = tpu.memref_slice %arg6[%mul3A_218] : memref<16773120xf32, #tpu.memory_space<hbm>> -> memref<16376xf32, #tpu.memory_space<hbm>>
        %dma_wait3A_222 = tpu.memref_slice %arg6[%mul3A_218] : memref<16773120xf32, #tpu.memory_space<hbm>> -> memref<16376xf32, #tpu.memory_space<hbm>>
        %dma_wait3A_223 = arith.constant 0 : i32
        %dma_wait3A_224 = tpu.memref_slice %arg12[%dma_wait3A_223] : memref<16384xf32, #tpu.memory_space<vmem>> -> memref<16376xf32, #tpu.memory_space<vmem>>
        tpu.wait_dma2 semaphore(%arg18 : memref<!tpu.dma_semaphore, #tpu.memory_space<semaphore_mem>>) src(%dma_wait3A_224 : memref<16376xf32, #tpu.memory_space<vmem>>) dst(%dma_wait3A_222 : memref<16376xf32, #tpu.memory_space<hbm>>)
      } else {
      }
      %slice3A = vector.extract_strided_slice %get3A_62 {offsets = [0], sizes = [1], strides = [1]} : vector<16xf32> to vector<1xf32>
      %squeeze3A = vector.extract %slice3A[0] : f32 from vector<1xf32>
      %broadcast_in_dim3A = vector.broadcast %squeeze3A : f32 to vector<16xf32>
      %slice3A_88 = vector.extract_strided_slice %get3A_62 {offsets = [1], sizes = [1], strides = [1]} : vector<16xf32> to vector<1xf32>
      %squeeze3A_89 = vector.extract %slice3A_88[0] : f32 from vector<1xf32>
      %broadcast_in_dim3A_90 = vector.broadcast %squeeze3A_89 : f32 to vector<16xf32>
      %slice3A_91 = vector.extract_strided_slice %get3A_62 {offsets = [2], sizes = [1], strides = [1]} : vector<16xf32> to vector<1xf32>
      %squeeze3A_92 = vector.extract %slice3A_91[0] : f32 from vector<1xf32>
      %broadcast_in_dim3A_93 = vector.broadcast %squeeze3A_92 : f32 to vector<16xf32>
      %slice3A_94 = vector.extract_strided_slice %get3A_62 {offsets = [3], sizes = [1], strides = [1]} : vector<16xf32> to vector<1xf32>
      %squeeze3A_95 = vector.extract %slice3A_94[0] : f32 from vector<1xf32>
      %broadcast_in_dim3A_96 = vector.broadcast %squeeze3A_95 : f32 to vector<16xf32>
      %slice3A_97 = vector.extract_strided_slice %get3A_64 {offsets = [0], sizes = [1], strides = [1]} : vector<16xf32> to vector<1xf32>
      %squeeze3A_98 = vector.extract %slice3A_97[0] : f32 from vector<1xf32>
      %broadcast_in_dim3A_99 = vector.broadcast %squeeze3A_98 : f32 to vector<16xf32>
      %slice3A_100 = vector.extract_strided_slice %get3A_64 {offsets = [1], sizes = [1], strides = [1]} : vector<16xf32> to vector<1xf32>
      %squeeze3A_101 = vector.extract %slice3A_100[0] : f32 from vector<1xf32>
      %broadcast_in_dim3A_102 = vector.broadcast %squeeze3A_101 : f32 to vector<16xf32>
      %slice3A_103 = vector.extract_strided_slice %get3A_64 {offsets = [2], sizes = [1], strides = [1]} : vector<16xf32> to vector<1xf32>
      %squeeze3A_104 = vector.extract %slice3A_103[0] : f32 from vector<1xf32>
      %broadcast_in_dim3A_105 = vector.broadcast %squeeze3A_104 : f32 to vector<16xf32>
      %slice3A_106 = vector.extract_strided_slice %get3A_64 {offsets = [3], sizes = [1], strides = [1]} : vector<16xf32> to vector<1xf32>
      %squeeze3A_107 = vector.extract %slice3A_106[0] : f32 from vector<1xf32>
      %broadcast_in_dim3A_108 = vector.broadcast %squeeze3A_107 : f32 to vector<16xf32>
      %iota3A = tpu.iota {dimensions = array<i32: 0>} : vector<16xi32>
      %parallel_loop3A = arith.constant 0 : i32
      %parallel_loop3A_109 = arith.constant 256 : i32
      %parallel_loop3A_110 = arith.constant 1 : i32
      scf.for %parallel_loop3A_209 = %parallel_loop3A to %parallel_loop3A_109 step %parallel_loop3A_110  : i32 {
        %parallel_loop3A_210 = arith.constant 16 : i32
        %parallel_loop3A_211 = arith.muli %parallel_loop3A_209, %parallel_loop3A_210 : i32
        %parallel_loop3A_212 = vector.broadcast %parallel_loop3A_211 : i32 to vector<16xi32>
        %parallel_loop3A_213 = arith.addi %iota3A, %parallel_loop3A_212 : vector<16xi32>
        %parallel_loop3A_214 = arith.index_cast %parallel_loop3A_211 : i32 to index
        %parallel_loop3A_215 = tpu.vector_load %arg8[%parallel_loop3A_214] {strides = array<i32>} : memref<4096xf32, #tpu.memory_space<vmem>>, vector<16xf32>,
        %parallel_loop3A_216 = arith.index_cast %parallel_loop3A_211 : i32 to index
        %parallel_loop3A_217 = tpu.vector_load %arg7[%parallel_loop3A_216] {strides = array<i32>} : memref<4096xf32, #tpu.memory_space<vmem>>, vector<16xf32>,
        %parallel_loop3A_218 = arith.constant 8 : i32
        %parallel_loop3A_219 = arith.divsi %parallel_loop3A_209, %parallel_loop3A_218 : i32
        %parallel_loop3A_220 = arith.constant 0 : i32
        %parallel_loop3A_221 = arith.cmpi sgt, %parallel_loop3A_209, %parallel_loop3A_220 : i32
        %parallel_loop3A_222 = arith.extui %parallel_loop3A_221 : i1 to i32
        %parallel_loop3A_223 = arith.constant 0 : i32
        %parallel_loop3A_224 = arith.cmpi slt, %parallel_loop3A_209, %parallel_loop3A_223 : i32
        %parallel_loop3A_225 = arith.extui %parallel_loop3A_224 : i1 to i32
        %parallel_loop3A_226 = arith.subi %parallel_loop3A_222, %parallel_loop3A_225 : i32
        %parallel_loop3A_227 = arith.constant 0 : i32
        %parallel_loop3A_228 = arith.cmpi sgt, %parallel_loop3A_218, %parallel_loop3A_227 : i32
        %parallel_loop3A_229 = arith.extui %parallel_loop3A_228 : i1 to i32
        %parallel_loop3A_230 = arith.constant 0 : i32
        %parallel_loop3A_231 = arith.cmpi slt, %parallel_loop3A_218, %parallel_loop3A_230 : i32
        %parallel_loop3A_232 = arith.extui %parallel_loop3A_231 : i1 to i32
        %parallel_loop3A_233 = arith.subi %parallel_loop3A_229, %parallel_loop3A_232 : i32
        %parallel_loop3A_234 = arith.cmpi ne, %parallel_loop3A_226, %parallel_loop3A_233 : i32
        %parallel_loop3A_235 = arith.remsi %parallel_loop3A_209, %parallel_loop3A_218 : i32
        %parallel_loop3A_236 = arith.constant 0 : i32
        %parallel_loop3A_237 = arith.cmpi ne, %parallel_loop3A_235, %parallel_loop3A_236 : i32
        %parallel_loop3A_238 = arith.andi %parallel_loop3A_234, %parallel_loop3A_237 : i1
        %parallel_loop3A_239 = arith.constant 1 : i32
        %parallel_loop3A_240 = arith.subi %parallel_loop3A_219, %parallel_loop3A_239 : i32
        %parallel_loop3A_241 = arith.select %parallel_loop3A_238, %parallel_loop3A_240, %parallel_loop3A_219 : i32
        %parallel_loop3A_242 = arith.constant 8 : i32
        %parallel_loop3A_243 = arith.constant 0 : i32
        %parallel_loop3A_244 = arith.cmpi eq, %parallel_loop3A_242, %parallel_loop3A_243 : i32
        %parallel_loop3A_245 = arith.constant 1 : i32
        %parallel_loop3A_246 = arith.select %parallel_loop3A_244, %parallel_loop3A_245, %parallel_loop3A_242 : i32
        %parallel_loop3A_247 = arith.remsi %parallel_loop3A_209, %parallel_loop3A_246 : i32
        %parallel_loop3A_248 = arith.constant 0 : i32
        %parallel_loop3A_249 = arith.cmpi ne, %parallel_loop3A_247, %parallel_loop3A_248 : i32
        %parallel_loop3A_250 = arith.constant 0 : i32
        %parallel_loop3A_251 = arith.cmpi slt, %parallel_loop3A_247, %parallel_loop3A_250 : i32
        %parallel_loop3A_252 = arith.constant 0 : i32
        %parallel_loop3A_253 = arith.cmpi slt, %parallel_loop3A_246, %parallel_loop3A_252 : i32
        %parallel_loop3A_254 = arith.xori %parallel_loop3A_251, %parallel_loop3A_253 : i1
        %parallel_loop3A_255 = arith.andi %parallel_loop3A_254, %parallel_loop3A_249 : i1
        %parallel_loop3A_256 = arith.addi %parallel_loop3A_247, %parallel_loop3A_246 : i32
        %parallel_loop3A_257 = arith.select %parallel_loop3A_255, %parallel_loop3A_256, %parallel_loop3A_247 : i32
        %parallel_loop3A_258 = arith.constant 16 : i32
        %parallel_loop3A_259 = arith.muli %parallel_loop3A_257, %parallel_loop3A_258 : i32
        %parallel_loop3A_260 = arith.constant 0 : i32
        %parallel_loop3A_261 = arith.addi %add3A_61, %parallel_loop3A_260 : i32
        %parallel_loop3A_262 = arith.constant 0 : i32
        %parallel_loop3A_263 = arith.index_cast %parallel_loop3A_241 : i32 to index
        %parallel_loop3A_264 = arith.index_cast %parallel_loop3A_262 : i32 to index
        %parallel_loop3A_265 = arith.index_cast %parallel_loop3A_259 : i32 to index
        %parallel_loop3A_266 = tpu.vector_load %arg9[%parallel_loop3A_263, %parallel_loop3A_264, %parallel_loop3A_265] {strides = array<i32>} : memref<32x4x128xf32, #tpu.memory_space<vmem>>, vector<16xf32>,
        %parallel_loop3A_267 = arith.addf %broadcast_in_dim3A, %parallel_loop3A_215 : vector<16xf32>
        %parallel_loop3A_268 = arith.constant 2.000000e+00 : f32
        %parallel_loop3A_269 = vector.broadcast %parallel_loop3A_268 : f32 to vector<16xf32>
        %parallel_loop3A_270 = arith.mulf %parallel_loop3A_269, %parallel_loop3A_266 : vector<16xf32>
        %parallel_loop3A_271 = arith.subf %parallel_loop3A_267, %parallel_loop3A_270 : vector<16xf32>
        %parallel_loop3A_272 = tpu.bitcast %parallel_loop3A_271 : vector<16xf32> -> vector<16xi32>
        %parallel_loop3A_273 = arith.constant 1 : i32
        %parallel_loop3A_274 = vector.broadcast %parallel_loop3A_273 : i32 to vector<16xi32>
        %parallel_loop3A_275 = arith.shrsi %parallel_loop3A_272, %parallel_loop3A_274 : vector<16xi32>
        %parallel_loop3A_276 = arith.constant 1597463007 : i32
        %parallel_loop3A_277 = vector.broadcast %parallel_loop3A_276 : i32 to vector<16xi32>
        %parallel_loop3A_278 = arith.subi %parallel_loop3A_277, %parallel_loop3A_275 : vector<16xi32>
        %parallel_loop3A_279 = tpu.bitcast %parallel_loop3A_278 : vector<16xi32> -> vector<16xf32>
        %parallel_loop3A_280 = arith.constant 5.000000e-01 : f32
        %parallel_loop3A_281 = vector.broadcast %parallel_loop3A_280 : f32 to vector<16xf32>
        %parallel_loop3A_282 = arith.mulf %parallel_loop3A_281, %parallel_loop3A_271 : vector<16xf32>
        %parallel_loop3A_283 = arith.mulf %parallel_loop3A_282, %parallel_loop3A_279 : vector<16xf32>
        %parallel_loop3A_284 = arith.mulf %parallel_loop3A_283, %parallel_loop3A_279 : vector<16xf32>
        %parallel_loop3A_285 = arith.constant 1.500000e+00 : f32
        %parallel_loop3A_286 = vector.broadcast %parallel_loop3A_285 : f32 to vector<16xf32>
        %parallel_loop3A_287 = arith.subf %parallel_loop3A_286, %parallel_loop3A_284 : vector<16xf32>
        %parallel_loop3A_288 = arith.mulf %parallel_loop3A_279, %parallel_loop3A_287 : vector<16xf32>
        %parallel_loop3A_289 = arith.mulf %parallel_loop3A_271, %parallel_loop3A_288 : vector<16xf32>
        %parallel_loop3A_290 = arith.subf %broadcast_in_dim3A_99, %parallel_loop3A_217 : vector<16xf32>
        %parallel_loop3A_291 = vector.broadcast %parallel_loop3A_261 : i32 to vector<16xi32>
        %parallel_loop3A_292 = arith.cmpi sgt, %parallel_loop3A_213, %parallel_loop3A_291 : vector<16xi32>
        %parallel_loop3A_293 = arith.constant 1 : i32
        %parallel_loop3A_294 = arith.constant 0 : i32
        %parallel_loop3A_295 = vector.broadcast %parallel_loop3A_293 : i32 to vector<16xi32>
        %parallel_loop3A_296 = vector.broadcast %parallel_loop3A_294 : i32 to vector<16xi32>
        %parallel_loop3A_297 = arith.select %parallel_loop3A_292, %parallel_loop3A_295, %parallel_loop3A_296 : vector<16xi1>, vector<16xi32>
        %parallel_loop3A_298 = arith.constant 0 : i32
        %parallel_loop3A_299 = vector.broadcast %parallel_loop3A_298 : i32 to vector<16xi32>
        %parallel_loop3A_300 = arith.addi %parallel_loop3A_213, %parallel_loop3A_299 : vector<16xi32>
        %parallel_loop3A_301 = arith.subi %parallel_loop3A_300, %parallel_loop3A_297 : vector<16xi32>
        %parallel_loop3A_302 = vector.broadcast %parallel_loop3A_261 : i32 to vector<16xi32>
        %parallel_loop3A_303 = arith.cmpi ne, %parallel_loop3A_213, %parallel_loop3A_302 : vector<16xi32>
        tpu.vector_store_idx %arg12[%parallel_loop3A_301], %parallel_loop3A_289 masked %parallel_loop3A_303 : memref<16384xf32, #tpu.memory_space<vmem>>[vector<16xi32>], vector<16xf32>, vector<16xi1>
        tpu.vector_store_idx %arg11[%parallel_loop3A_301], %parallel_loop3A_290 masked %parallel_loop3A_303 : memref<16384xf32, #tpu.memory_space<vmem>>[vector<16xi32>], vector<16xf32>, vector<16xi1>
        %parallel_loop3A_304 = arith.constant 1 : i32
        %parallel_loop3A_305 = arith.addi %add3A_61, %parallel_loop3A_304 : i32
        %parallel_loop3A_306 = arith.constant 1 : i32
        %parallel_loop3A_307 = arith.index_cast %parallel_loop3A_241 : i32 to index
        %parallel_loop3A_308 = arith.index_cast %parallel_loop3A_306 : i32 to index
        %parallel_loop3A_309 = arith.index_cast %parallel_loop3A_259 : i32 to index
        %parallel_loop3A_310 = tpu.vector_load %arg9[%parallel_loop3A_307, %parallel_loop3A_308, %parallel_loop3A_309] {strides = array<i32>} : memref<32x4x128xf32, #tpu.memory_space<vmem>>, vector<16xf32>,
        %parallel_loop3A_311 = arith.addf %broadcast_in_dim3A_90, %parallel_loop3A_215 : vector<16xf32>
        %parallel_loop3A_312 = arith.constant 2.000000e+00 : f32
        %parallel_loop3A_313 = vector.broadcast %parallel_loop3A_312 : f32 to vector<16xf32>
        %parallel_loop3A_314 = arith.mulf %parallel_loop3A_313, %parallel_loop3A_310 : vector<16xf32>
        %parallel_loop3A_315 = arith.subf %parallel_loop3A_311, %parallel_loop3A_314 : vector<16xf32>
        %parallel_loop3A_316 = tpu.bitcast %parallel_loop3A_315 : vector<16xf32> -> vector<16xi32>
        %parallel_loop3A_317 = arith.constant 1 : i32
        %parallel_loop3A_318 = vector.broadcast %parallel_loop3A_317 : i32 to vector<16xi32>
        %parallel_loop3A_319 = arith.shrsi %parallel_loop3A_316, %parallel_loop3A_318 : vector<16xi32>
        %parallel_loop3A_320 = arith.constant 1597463007 : i32
        %parallel_loop3A_321 = vector.broadcast %parallel_loop3A_320 : i32 to vector<16xi32>
        %parallel_loop3A_322 = arith.subi %parallel_loop3A_321, %parallel_loop3A_319 : vector<16xi32>
        %parallel_loop3A_323 = tpu.bitcast %parallel_loop3A_322 : vector<16xi32> -> vector<16xf32>
        %parallel_loop3A_324 = arith.constant 5.000000e-01 : f32
        %parallel_loop3A_325 = vector.broadcast %parallel_loop3A_324 : f32 to vector<16xf32>
        %parallel_loop3A_326 = arith.mulf %parallel_loop3A_325, %parallel_loop3A_315 : vector<16xf32>
        %parallel_loop3A_327 = arith.mulf %parallel_loop3A_326, %parallel_loop3A_323 : vector<16xf32>
        %parallel_loop3A_328 = arith.mulf %parallel_loop3A_327, %parallel_loop3A_323 : vector<16xf32>
        %parallel_loop3A_329 = arith.constant 1.500000e+00 : f32
        %parallel_loop3A_330 = vector.broadcast %parallel_loop3A_329 : f32 to vector<16xf32>
        %parallel_loop3A_331 = arith.subf %parallel_loop3A_330, %parallel_loop3A_328 : vector<16xf32>
        %parallel_loop3A_332 = arith.mulf %parallel_loop3A_323, %parallel_loop3A_331 : vector<16xf32>
        %parallel_loop3A_333 = arith.mulf %parallel_loop3A_315, %parallel_loop3A_332 : vector<16xf32>
        %parallel_loop3A_334 = arith.subf %broadcast_in_dim3A_102, %parallel_loop3A_217 : vector<16xf32>
        %parallel_loop3A_335 = vector.broadcast %parallel_loop3A_305 : i32 to vector<16xi32>
        %parallel_loop3A_336 = arith.cmpi sgt, %parallel_loop3A_213, %parallel_loop3A_335 : vector<16xi32>
        %parallel_loop3A_337 = arith.constant 1 : i32
        %parallel_loop3A_338 = arith.constant 0 : i32
        %parallel_loop3A_339 = vector.broadcast %parallel_loop3A_337 : i32 to vector<16xi32>
        %parallel_loop3A_340 = vector.broadcast %parallel_loop3A_338 : i32 to vector<16xi32>
        %parallel_loop3A_341 = arith.select %parallel_loop3A_336, %parallel_loop3A_339, %parallel_loop3A_340 : vector<16xi1>, vector<16xi32>
        %parallel_loop3A_342 = arith.constant 4095 : i32
        %parallel_loop3A_343 = vector.broadcast %parallel_loop3A_342 : i32 to vector<16xi32>
        %parallel_loop3A_344 = arith.addi %parallel_loop3A_213, %parallel_loop3A_343 : vector<16xi32>
        %parallel_loop3A_345 = arith.subi %parallel_loop3A_344, %parallel_loop3A_341 : vector<16xi32>
        %parallel_loop3A_346 = vector.broadcast %parallel_loop3A_305 : i32 to vector<16xi32>
        %parallel_loop3A_347 = arith.cmpi ne, %parallel_loop3A_213, %parallel_loop3A_346 : vector<16xi32>
        tpu.vector_store_idx %arg12[%parallel_loop3A_345], %parallel_loop3A_333 masked %parallel_loop3A_347 : memref<16384xf32, #tpu.memory_space<vmem>>[vector<16xi32>], vector<16xf32>, vector<16xi1>
        tpu.vector_store_idx %arg11[%parallel_loop3A_345], %parallel_loop3A_334 masked %parallel_loop3A_347 : memref<16384xf32, #tpu.memory_space<vmem>>[vector<16xi32>], vector<16xf32>, vector<16xi1>
        %parallel_loop3A_348 = arith.constant 2 : i32
        %parallel_loop3A_349 = arith.addi %add3A_61, %parallel_loop3A_348 : i32
        %parallel_loop3A_350 = arith.constant 2 : i32
        %parallel_loop3A_351 = arith.index_cast %parallel_loop3A_241 : i32 to index
        %parallel_loop3A_352 = arith.index_cast %parallel_loop3A_350 : i32 to index
        %parallel_loop3A_353 = arith.index_cast %parallel_loop3A_259 : i32 to index
        %parallel_loop3A_354 = tpu.vector_load %arg9[%parallel_loop3A_351, %parallel_loop3A_352, %parallel_loop3A_353] {strides = array<i32>} : memref<32x4x128xf32, #tpu.memory_space<vmem>>, vector<16xf32>,
        %parallel_loop3A_355 = arith.addf %broadcast_in_dim3A_93, %parallel_loop3A_215 : vector<16xf32>
        %parallel_loop3A_356 = arith.constant 2.000000e+00 : f32
        %parallel_loop3A_357 = vector.broadcast %parallel_loop3A_356 : f32 to vector<16xf32>
        %parallel_loop3A_358 = arith.mulf %parallel_loop3A_357, %parallel_loop3A_354 : vector<16xf32>
        %parallel_loop3A_359 = arith.subf %parallel_loop3A_355, %parallel_loop3A_358 : vector<16xf32>
        %parallel_loop3A_360 = tpu.bitcast %parallel_loop3A_359 : vector<16xf32> -> vector<16xi32>
        %parallel_loop3A_361 = arith.constant 1 : i32
        %parallel_loop3A_362 = vector.broadcast %parallel_loop3A_361 : i32 to vector<16xi32>
        %parallel_loop3A_363 = arith.shrsi %parallel_loop3A_360, %parallel_loop3A_362 : vector<16xi32>
        %parallel_loop3A_364 = arith.constant 1597463007 : i32
        %parallel_loop3A_365 = vector.broadcast %parallel_loop3A_364 : i32 to vector<16xi32>
        %parallel_loop3A_366 = arith.subi %parallel_loop3A_365, %parallel_loop3A_363 : vector<16xi32>
        %parallel_loop3A_367 = tpu.bitcast %parallel_loop3A_366 : vector<16xi32> -> vector<16xf32>
        %parallel_loop3A_368 = arith.constant 5.000000e-01 : f32
        %parallel_loop3A_369 = vector.broadcast %parallel_loop3A_368 : f32 to vector<16xf32>
        %parallel_loop3A_370 = arith.mulf %parallel_loop3A_369, %parallel_loop3A_359 : vector<16xf32>
        %parallel_loop3A_371 = arith.mulf %parallel_loop3A_370, %parallel_loop3A_367 : vector<16xf32>
        %parallel_loop3A_372 = arith.mulf %parallel_loop3A_371, %parallel_loop3A_367 : vector<16xf32>
        %parallel_loop3A_373 = arith.constant 1.500000e+00 : f32
        %parallel_loop3A_374 = vector.broadcast %parallel_loop3A_373 : f32 to vector<16xf32>
        %parallel_loop3A_375 = arith.subf %parallel_loop3A_374, %parallel_loop3A_372 : vector<16xf32>
        %parallel_loop3A_376 = arith.mulf %parallel_loop3A_367, %parallel_loop3A_375 : vector<16xf32>
        %parallel_loop3A_377 = arith.mulf %parallel_loop3A_359, %parallel_loop3A_376 : vector<16xf32>
        %parallel_loop3A_378 = arith.subf %broadcast_in_dim3A_105, %parallel_loop3A_217 : vector<16xf32>
        %parallel_loop3A_379 = vector.broadcast %parallel_loop3A_349 : i32 to vector<16xi32>
        %parallel_loop3A_380 = arith.cmpi sgt, %parallel_loop3A_213, %parallel_loop3A_379 : vector<16xi32>
        %parallel_loop3A_381 = arith.constant 1 : i32
        %parallel_loop3A_382 = arith.constant 0 : i32
        %parallel_loop3A_383 = vector.broadcast %parallel_loop3A_381 : i32 to vector<16xi32>
        %parallel_loop3A_384 = vector.broadcast %parallel_loop3A_382 : i32 to vector<16xi32>
        %parallel_loop3A_385 = arith.select %parallel_loop3A_380, %parallel_loop3A_383, %parallel_loop3A_384 : vector<16xi1>, vector<16xi32>
        %parallel_loop3A_386 = arith.constant 8190 : i32
        %parallel_loop3A_387 = vector.broadcast %parallel_loop3A_386 : i32 to vector<16xi32>
        %parallel_loop3A_388 = arith.addi %parallel_loop3A_213, %parallel_loop3A_387 : vector<16xi32>
        %parallel_loop3A_389 = arith.subi %parallel_loop3A_388, %parallel_loop3A_385 : vector<16xi32>
        %parallel_loop3A_390 = vector.broadcast %parallel_loop3A_349 : i32 to vector<16xi32>
        %parallel_loop3A_391 = arith.cmpi ne, %parallel_loop3A_213, %parallel_loop3A_390 : vector<16xi32>
        tpu.vector_store_idx %arg12[%parallel_loop3A_389], %parallel_loop3A_377 masked %parallel_loop3A_391 : memref<16384xf32, #tpu.memory_space<vmem>>[vector<16xi32>], vector<16xf32>, vector<16xi1>
        tpu.vector_store_idx %arg11[%parallel_loop3A_389], %parallel_loop3A_378 masked %parallel_loop3A_391 : memref<16384xf32, #tpu.memory_space<vmem>>[vector<16xi32>], vector<16xf32>, vector<16xi1>
        %parallel_loop3A_392 = arith.constant 3 : i32
        %parallel_loop3A_393 = arith.addi %add3A_61, %parallel_loop3A_392 : i32
        %parallel_loop3A_394 = arith.constant 3 : i32
        %parallel_loop3A_395 = arith.index_cast %parallel_loop3A_241 : i32 to index
        %parallel_loop3A_396 = arith.index_cast %parallel_loop3A_394 : i32 to index
        %parallel_loop3A_397 = arith.index_cast %parallel_loop3A_259 : i32 to index
        %parallel_loop3A_398 = tpu.vector_load %arg9[%parallel_loop3A_395, %parallel_loop3A_396, %parallel_loop3A_397] {strides = array<i32>} : memref<32x4x128xf32, #tpu.memory_space<vmem>>, vector<16xf32>,
        %parallel_loop3A_399 = arith.addf %broadcast_in_dim3A_96, %parallel_loop3A_215 : vector<16xf32>
        %parallel_loop3A_400 = arith.constant 2.000000e+00 : f32
        %parallel_loop3A_401 = vector.broadcast %parallel_loop3A_400 : f32 to vector<16xf32>
        %parallel_loop3A_402 = arith.mulf %parallel_loop3A_401, %parallel_loop3A_398 : vector<16xf32>
        %parallel_loop3A_403 = arith.subf %parallel_loop3A_399, %parallel_loop3A_402 : vector<16xf32>
        %parallel_loop3A_404 = tpu.bitcast %parallel_loop3A_403 : vector<16xf32> -> vector<16xi32>
        %parallel_loop3A_405 = arith.constant 1 : i32
        %parallel_loop3A_406 = vector.broadcast %parallel_loop3A_405 : i32 to vector<16xi32>
        %parallel_loop3A_407 = arith.shrsi %parallel_loop3A_404, %parallel_loop3A_406 : vector<16xi32>
        %parallel_loop3A_408 = arith.constant 1597463007 : i32
        %parallel_loop3A_409 = vector.broadcast %parallel_loop3A_408 : i32 to vector<16xi32>
        %parallel_loop3A_410 = arith.subi %parallel_loop3A_409, %parallel_loop3A_407 : vector<16xi32>
        %parallel_loop3A_411 = tpu.bitcast %parallel_loop3A_410 : vector<16xi32> -> vector<16xf32>
        %parallel_loop3A_412 = arith.constant 5.000000e-01 : f32
        %parallel_loop3A_413 = vector.broadcast %parallel_loop3A_412 : f32 to vector<16xf32>
        %parallel_loop3A_414 = arith.mulf %parallel_loop3A_413, %parallel_loop3A_403 : vector<16xf32>
        %parallel_loop3A_415 = arith.mulf %parallel_loop3A_414, %parallel_loop3A_411 : vector<16xf32>
        %parallel_loop3A_416 = arith.mulf %parallel_loop3A_415, %parallel_loop3A_411 : vector<16xf32>
        %parallel_loop3A_417 = arith.constant 1.500000e+00 : f32
        %parallel_loop3A_418 = vector.broadcast %parallel_loop3A_417 : f32 to vector<16xf32>
        %parallel_loop3A_419 = arith.subf %parallel_loop3A_418, %parallel_loop3A_416 : vector<16xf32>
        %parallel_loop3A_420 = arith.mulf %parallel_loop3A_411, %parallel_loop3A_419 : vector<16xf32>
        %parallel_loop3A_421 = arith.mulf %parallel_loop3A_403, %parallel_loop3A_420 : vector<16xf32>
        %parallel_loop3A_422 = arith.subf %broadcast_in_dim3A_108, %parallel_loop3A_217 : vector<16xf32>
        %parallel_loop3A_423 = vector.broadcast %parallel_loop3A_393 : i32 to vector<16xi32>
        %parallel_loop3A_424 = arith.cmpi sgt, %parallel_loop3A_213, %parallel_loop3A_423 : vector<16xi32>
        %parallel_loop3A_425 = arith.constant 1 : i32
        %parallel_loop3A_426 = arith.constant 0 : i32
        %parallel_loop3A_427 = vector.broadcast %parallel_loop3A_425 : i32 to vector<16xi32>
        %parallel_loop3A_428 = vector.broadcast %parallel_loop3A_426 : i32 to vector<16xi32>
        %parallel_loop3A_429 = arith.select %parallel_loop3A_424, %parallel_loop3A_427, %parallel_loop3A_428 : vector<16xi1>, vector<16xi32>
        %parallel_loop3A_430 = arith.constant 12285 : i32
        %parallel_loop3A_431 = vector.broadcast %parallel_loop3A_430 : i32 to vector<16xi32>
        %parallel_loop3A_432 = arith.addi %parallel_loop3A_213, %parallel_loop3A_431 : vector<16xi32>
        %parallel_loop3A_433 = arith.subi %parallel_loop3A_432, %parallel_loop3A_429 : vector<16xi32>
        %parallel_loop3A_434 = vector.broadcast %parallel_loop3A_393 : i32 to vector<16xi32>
        %parallel_loop3A_435 = arith.cmpi ne, %parallel_loop3A_213, %parallel_loop3A_434 : vector<16xi32>
        tpu.vector_store_idx %arg12[%parallel_loop3A_433], %parallel_loop3A_421 masked %parallel_loop3A_435 : memref<16384xf32, #tpu.memory_space<vmem>>[vector<16xi32>], vector<16xf32>, vector<16xi1>
        tpu.vector_store_idx %arg11[%parallel_loop3A_433], %parallel_loop3A_422 masked %parallel_loop3A_435 : memref<16384xf32, #tpu.memory_space<vmem>>[vector<16xi32>], vector<16xf32>, vector<16xi1>
      } {sc.loop_unroll_factor = 4 : i64, sc.parallel_access}
      %mul3A_111 = arith.constant 4095 : i32
      %mul3A_112 = arith.muli %add3A_61, %mul3A_111 : i32
      %dma_start3A_113 = arith.constant 0 : i32
      %dma_start3A_114 = tpu.memref_slice %arg11[%dma_start3A_113] : memref<16384xf32, #tpu.memory_space<vmem>> -> memref<16376xf32, #tpu.memory_space<vmem>>
      %dma_start3A_115 = tpu.memref_slice %arg5[%mul3A_112] : memref<16773120xf32, #tpu.memory_space<hbm>> -> memref<16376xf32, #tpu.memory_space<hbm>>
      %dma_start3A_116 = tpu.memref_slice %arg5[%mul3A_112] : memref<16773120xf32, #tpu.memory_space<hbm>> -> memref<16376xf32, #tpu.memory_space<hbm>>
      %dma_start3A_117 = arith.constant 0 : i32
      %dma_start3A_118 = tpu.memref_slice %arg11[%dma_start3A_117] : memref<16384xf32, #tpu.memory_space<vmem>> -> memref<16376xf32, #tpu.memory_space<vmem>>
      tpu.enqueue_dma source(%dma_start3A_118 : memref<16376xf32, #tpu.memory_space<vmem>>) target(%dma_start3A_116 : memref<16376xf32, #tpu.memory_space<hbm>>) target_semaphore(%arg18 : memref<!tpu.dma_semaphore, #tpu.memory_space<semaphore_mem>>)
      %mul3A_119 = arith.constant 4095 : i32
      %mul3A_120 = arith.muli %add3A_61, %mul3A_119 : i32
      %dma_start3A_121 = arith.constant 0 : i32
      %dma_start3A_122 = tpu.memref_slice %arg12[%dma_start3A_121] : memref<16384xf32, #tpu.memory_space<vmem>> -> memref<16376xf32, #tpu.memory_space<vmem>>
      %dma_start3A_123 = tpu.memref_slice %arg6[%mul3A_120] : memref<16773120xf32, #tpu.memory_space<hbm>> -> memref<16376xf32, #tpu.memory_space<hbm>>
      %dma_start3A_124 = tpu.memref_slice %arg6[%mul3A_120] : memref<16773120xf32, #tpu.memory_space<hbm>> -> memref<16376xf32, #tpu.memory_space<hbm>>
      %dma_start3A_125 = arith.constant 0 : i32
      %dma_start3A_126 = tpu.memref_slice %arg12[%dma_start3A_125] : memref<16384xf32, #tpu.memory_space<vmem>> -> memref<16376xf32, #tpu.memory_space<vmem>>
      tpu.enqueue_dma source(%dma_start3A_126 : memref<16376xf32, #tpu.memory_space<vmem>>) target(%dma_start3A_124 : memref<16376xf32, #tpu.memory_space<hbm>>) target_semaphore(%arg18 : memref<!tpu.dma_semaphore, #tpu.memory_space<semaphore_mem>>)
      %lt3A = arith.constant 15 : i32
      %lt3A_127 = arith.cmpi slt, %scan3A_57, %lt3A : i32
      %convert_element_type3A_128 = arith.extui %lt3A_127 : i1 to i32
      %cond3A_129 = arith.constant 0 : i32
      %cond3A_130 = arith.cmpi ne, %convert_element_type3A_128, %cond3A_129 : i32
      scf.if %cond3A_130 {
        %add3A_209 = arith.constant 1 : i32
        %add3A_210 = arith.addi %add3A_65, %add3A_209 : i32
        %dma_start3A_211 = arith.constant 0 : i32
        %dma_start3A_212 = arith.constant 0 : i32
        %dma_start3A_213 = arith.constant 0 : i32
        %dma_start3A_214 = tpu.memref_slice %arg3[%add3A_210, %dma_start3A_211, %dma_start3A_212, %dma_start3A_213] : memref<512x32x8x128xf32, #tpu.memory_space<hbm>> -> memref<1x32x4x128xf32, #tpu.memory_space<hbm>>
        %dma_start3A_215 = tpu.memref_squeeze %dma_start3A_214 : memref<1x32x4x128xf32, #tpu.memory_space<hbm>> -> memref<32x4x128xf32, #tpu.memory_space<hbm>>
        %dma_start3A_216 = arith.constant 0 : i32
        %dma_start3A_217 = arith.constant 0 : i32
        %dma_start3A_218 = arith.constant 0 : i32
        %dma_start3A_219 = tpu.memref_slice %arg3[%add3A_210, %dma_start3A_216, %dma_start3A_217, %dma_start3A_218] : memref<512x32x8x128xf32, #tpu.memory_space<hbm>> -> memref<1x32x4x128xf32, #tpu.memory_space<hbm>>
        %dma_start3A_220 = tpu.memref_squeeze %dma_start3A_219 : memref<1x32x4x128xf32, #tpu.memory_space<hbm>> -> memref<32x4x128xf32, #tpu.memory_space<hbm>>
        tpu.enqueue_dma source(%dma_start3A_220 : memref<32x4x128xf32, #tpu.memory_space<hbm>>) target(%arg9 : memref<32x4x128xf32, #tpu.memory_space<vmem>>) target_semaphore(%arg16 : memref<!tpu.dma_semaphore, #tpu.memory_space<semaphore_mem>>)
      } else {
      }
      %dma_wait3A_131 = arith.constant 0 : i32
      %dma_wait3A_132 = arith.constant 4 : i32
      %dma_wait3A_133 = arith.constant 0 : i32
      %dma_wait3A_134 = tpu.memref_slice %arg3[%add3A_65, %dma_wait3A_131, %dma_wait3A_132, %dma_wait3A_133] : memref<512x32x8x128xf32, #tpu.memory_space<hbm>> -> memref<1x32x4x128xf32, #tpu.memory_space<hbm>>
      %dma_wait3A_135 = tpu.memref_squeeze %dma_wait3A_134 : memref<1x32x4x128xf32, #tpu.memory_space<hbm>> -> memref<32x4x128xf32, #tpu.memory_space<hbm>>
      %dma_wait3A_136 = arith.constant 0 : i32
      %dma_wait3A_137 = arith.constant 4 : i32
      %dma_wait3A_138 = arith.constant 0 : i32
      %dma_wait3A_139 = tpu.memref_slice %arg3[%add3A_65, %dma_wait3A_136, %dma_wait3A_137, %dma_wait3A_138] : memref<512x32x8x128xf32, #tpu.memory_space<hbm>> -> memref<1x32x4x128xf32, #tpu.memory_space<hbm>>
      %dma_wait3A_140 = tpu.memref_squeeze %dma_wait3A_139 : memref<1x32x4x128xf32, #tpu.memory_space<hbm>> -> memref<32x4x128xf32, #tpu.memory_space<hbm>>
      tpu.wait_dma2 semaphore(%arg17 : memref<!tpu.dma_semaphore, #tpu.memory_space<semaphore_mem>>) src(%dma_wait3A_140 : memref<32x4x128xf32, #tpu.memory_space<hbm>>) dst(%arg10 : memref<32x4x128xf32, #tpu.memory_space<vmem>>)
      %gt3A_141 = arith.constant 0 : i32
      %gt3A_142 = arith.cmpi sgt, %scan3A_57, %gt3A_141 : i32
      %convert_element_type3A_143 = arith.extui %gt3A_142 : i1 to i32
      %cond3A_144 = arith.constant 0 : i32
      %cond3A_145 = arith.cmpi ne, %convert_element_type3A_143, %cond3A_144 : i32
      scf.if %cond3A_145 {
        %mul3A_209 = arith.constant 4095 : i32
        %mul3A_210 = arith.muli %add3A_61, %mul3A_209 : i32
        %add3A_211 = arith.constant 16376 : i32
        %add3A_212 = arith.addi %mul3A_210, %add3A_211 : i32
        %dma_wait3A_213 = arith.constant 0 : i32
        %dma_wait3A_214 = tpu.memref_slice %arg13[%dma_wait3A_213] : memref<16384xf32, #tpu.memory_space<vmem>> -> memref<16384xf32, #tpu.memory_space<vmem>>
        %dma_wait3A_215 = tpu.memref_slice %arg5[%add3A_212] : memref<16773120xf32, #tpu.memory_space<hbm>> -> memref<16384xf32, #tpu.memory_space<hbm>>
        %dma_wait3A_216 = tpu.memref_slice %arg5[%add3A_212] : memref<16773120xf32, #tpu.memory_space<hbm>> -> memref<16384xf32, #tpu.memory_space<hbm>>
        %dma_wait3A_217 = arith.constant 0 : i32
        %dma_wait3A_218 = tpu.memref_slice %arg13[%dma_wait3A_217] : memref<16384xf32, #tpu.memory_space<vmem>> -> memref<16384xf32, #tpu.memory_space<vmem>>
        tpu.wait_dma2 semaphore(%arg19 : memref<!tpu.dma_semaphore, #tpu.memory_space<semaphore_mem>>) src(%dma_wait3A_218 : memref<16384xf32, #tpu.memory_space<vmem>>) dst(%dma_wait3A_216 : memref<16384xf32, #tpu.memory_space<hbm>>)
        %mul3A_219 = arith.constant 4095 : i32
        %mul3A_220 = arith.muli %add3A_61, %mul3A_219 : i32
        %add3A_221 = arith.constant 16376 : i32
        %add3A_222 = arith.addi %mul3A_220, %add3A_221 : i32
        %dma_wait3A_223 = arith.constant 0 : i32
        %dma_wait3A_224 = tpu.memref_slice %arg14[%dma_wait3A_223] : memref<16384xf32, #tpu.memory_space<vmem>> -> memref<16384xf32, #tpu.memory_space<vmem>>
        %dma_wait3A_225 = tpu.memref_slice %arg6[%add3A_222] : memref<16773120xf32, #tpu.memory_space<hbm>> -> memref<16384xf32, #tpu.memory_space<hbm>>
        %dma_wait3A_226 = tpu.memref_slice %arg6[%add3A_222] : memref<16773120xf32, #tpu.memory_space<hbm>> -> memref<16384xf32, #tpu.memory_space<hbm>>
        %dma_wait3A_227 = arith.constant 0 : i32
        %dma_wait3A_228 = tpu.memref_slice %arg14[%dma_wait3A_227] : memref<16384xf32, #tpu.memory_space<vmem>> -> memref<16384xf32, #tpu.memory_space<vmem>>
        tpu.wait_dma2 semaphore(%arg19 : memref<!tpu.dma_semaphore, #tpu.memory_space<semaphore_mem>>) src(%dma_wait3A_228 : memref<16384xf32, #tpu.memory_space<vmem>>) dst(%dma_wait3A_226 : memref<16384xf32, #tpu.memory_space<hbm>>)
      } else {
      }
      %add3A_146 = arith.constant 4 : i32
      %add3A_147 = arith.addi %add3A_61, %add3A_146 : i32
      %slice3A_148 = vector.extract_strided_slice %get3A_62 {offsets = [4], sizes = [1], strides = [1]} : vector<16xf32> to vector<1xf32>
      %squeeze3A_149 = vector.extract %slice3A_148[0] : f32 from vector<1xf32>
      %broadcast_in_dim3A_150 = vector.broadcast %squeeze3A_149 : f32 to vector<16xf32>
      %slice3A_151 = vector.extract_strided_slice %get3A_62 {offsets = [5], sizes = [1], strides = [1]} : vector<16xf32> to vector<1xf32>
      %squeeze3A_152 = vector.extract %slice3A_151[0] : f32 from vector<1xf32>
      %broadcast_in_dim3A_153 = vector.broadcast %squeeze3A_152 : f32 to vector<16xf32>
      %slice3A_154 = vector.extract_strided_slice %get3A_62 {offsets = [6], sizes = [1], strides = [1]} : vector<16xf32> to vector<1xf32>
      %squeeze3A_155 = vector.extract %slice3A_154[0] : f32 from vector<1xf32>
      %broadcast_in_dim3A_156 = vector.broadcast %squeeze3A_155 : f32 to vector<16xf32>
      %slice3A_157 = vector.extract_strided_slice %get3A_62 {offsets = [7], sizes = [1], strides = [1]} : vector<16xf32> to vector<1xf32>
      %squeeze3A_158 = vector.extract %slice3A_157[0] : f32 from vector<1xf32>
      %broadcast_in_dim3A_159 = vector.broadcast %squeeze3A_158 : f32 to vector<16xf32>
      %slice3A_160 = vector.extract_strided_slice %get3A_64 {offsets = [4], sizes = [1], strides = [1]} : vector<16xf32> to vector<1xf32>
      %squeeze3A_161 = vector.extract %slice3A_160[0] : f32 from vector<1xf32>
      %broadcast_in_dim3A_162 = vector.broadcast %squeeze3A_161 : f32 to vector<16xf32>
      %slice3A_163 = vector.extract_strided_slice %get3A_64 {offsets = [5], sizes = [1], strides = [1]} : vector<16xf32> to vector<1xf32>
      %squeeze3A_164 = vector.extract %slice3A_163[0] : f32 from vector<1xf32>
      %broadcast_in_dim3A_165 = vector.broadcast %squeeze3A_164 : f32 to vector<16xf32>
      %slice3A_166 = vector.extract_strided_slice %get3A_64 {offsets = [6], sizes = [1], strides = [1]} : vector<16xf32> to vector<1xf32>
      %squeeze3A_167 = vector.extract %slice3A_166[0] : f32 from vector<1xf32>
      %broadcast_in_dim3A_168 = vector.broadcast %squeeze3A_167 : f32 to vector<16xf32>
      %slice3A_169 = vector.extract_strided_slice %get3A_64 {offsets = [7], sizes = [1], strides = [1]} : vector<16xf32> to vector<1xf32>
      %squeeze3A_170 = vector.extract %slice3A_169[0] : f32 from vector<1xf32>
      %broadcast_in_dim3A_171 = vector.broadcast %squeeze3A_170 : f32 to vector<16xf32>
      %iota3A_172 = tpu.iota {dimensions = array<i32: 0>} : vector<16xi32>
      %parallel_loop3A_173 = arith.constant 0 : i32
      %parallel_loop3A_174 = arith.constant 256 : i32
      %parallel_loop3A_175 = arith.constant 1 : i32
      scf.for %parallel_loop3A_209 = %parallel_loop3A_173 to %parallel_loop3A_174 step %parallel_loop3A_175  : i32 {
        %parallel_loop3A_210 = arith.constant 16 : i32
        %parallel_loop3A_211 = arith.muli %parallel_loop3A_209, %parallel_loop3A_210 : i32
        %parallel_loop3A_212 = vector.broadcast %parallel_loop3A_211 : i32 to vector<16xi32>
        %parallel_loop3A_213 = arith.addi %iota3A_172, %parallel_loop3A_212 : vector<16xi32>
        %parallel_loop3A_214 = arith.index_cast %parallel_loop3A_211 : i32 to index
        %parallel_loop3A_215 = tpu.vector_load %arg8[%parallel_loop3A_214] {strides = array<i32>} : memref<4096xf32, #tpu.memory_space<vmem>>, vector<16xf32>,
        %parallel_loop3A_216 = arith.index_cast %parallel_loop3A_211 : i32 to index
        %parallel_loop3A_217 = tpu.vector_load %arg7[%parallel_loop3A_216] {strides = array<i32>} : memref<4096xf32, #tpu.memory_space<vmem>>, vector<16xf32>,
        %parallel_loop3A_218 = arith.constant 8 : i32
        %parallel_loop3A_219 = arith.divsi %parallel_loop3A_209, %parallel_loop3A_218 : i32
        %parallel_loop3A_220 = arith.constant 0 : i32
        %parallel_loop3A_221 = arith.cmpi sgt, %parallel_loop3A_209, %parallel_loop3A_220 : i32
        %parallel_loop3A_222 = arith.extui %parallel_loop3A_221 : i1 to i32
        %parallel_loop3A_223 = arith.constant 0 : i32
        %parallel_loop3A_224 = arith.cmpi slt, %parallel_loop3A_209, %parallel_loop3A_223 : i32
        %parallel_loop3A_225 = arith.extui %parallel_loop3A_224 : i1 to i32
        %parallel_loop3A_226 = arith.subi %parallel_loop3A_222, %parallel_loop3A_225 : i32
        %parallel_loop3A_227 = arith.constant 0 : i32
        %parallel_loop3A_228 = arith.cmpi sgt, %parallel_loop3A_218, %parallel_loop3A_227 : i32
        %parallel_loop3A_229 = arith.extui %parallel_loop3A_228 : i1 to i32
        %parallel_loop3A_230 = arith.constant 0 : i32
        %parallel_loop3A_231 = arith.cmpi slt, %parallel_loop3A_218, %parallel_loop3A_230 : i32
        %parallel_loop3A_232 = arith.extui %parallel_loop3A_231 : i1 to i32
        %parallel_loop3A_233 = arith.subi %parallel_loop3A_229, %parallel_loop3A_232 : i32
        %parallel_loop3A_234 = arith.cmpi ne, %parallel_loop3A_226, %parallel_loop3A_233 : i32
        %parallel_loop3A_235 = arith.remsi %parallel_loop3A_209, %parallel_loop3A_218 : i32
        %parallel_loop3A_236 = arith.constant 0 : i32
        %parallel_loop3A_237 = arith.cmpi ne, %parallel_loop3A_235, %parallel_loop3A_236 : i32
        %parallel_loop3A_238 = arith.andi %parallel_loop3A_234, %parallel_loop3A_237 : i1
        %parallel_loop3A_239 = arith.constant 1 : i32
        %parallel_loop3A_240 = arith.subi %parallel_loop3A_219, %parallel_loop3A_239 : i32
        %parallel_loop3A_241 = arith.select %parallel_loop3A_238, %parallel_loop3A_240, %parallel_loop3A_219 : i32
        %parallel_loop3A_242 = arith.constant 8 : i32
        %parallel_loop3A_243 = arith.constant 0 : i32
        %parallel_loop3A_244 = arith.cmpi eq, %parallel_loop3A_242, %parallel_loop3A_243 : i32
        %parallel_loop3A_245 = arith.constant 1 : i32
        %parallel_loop3A_246 = arith.select %parallel_loop3A_244, %parallel_loop3A_245, %parallel_loop3A_242 : i32
        %parallel_loop3A_247 = arith.remsi %parallel_loop3A_209, %parallel_loop3A_246 : i32
        %parallel_loop3A_248 = arith.constant 0 : i32
        %parallel_loop3A_249 = arith.cmpi ne, %parallel_loop3A_247, %parallel_loop3A_248 : i32
        %parallel_loop3A_250 = arith.constant 0 : i32
        %parallel_loop3A_251 = arith.cmpi slt, %parallel_loop3A_247, %parallel_loop3A_250 : i32
        %parallel_loop3A_252 = arith.constant 0 : i32
        %parallel_loop3A_253 = arith.cmpi slt, %parallel_loop3A_246, %parallel_loop3A_252 : i32
        %parallel_loop3A_254 = arith.xori %parallel_loop3A_251, %parallel_loop3A_253 : i1
        %parallel_loop3A_255 = arith.andi %parallel_loop3A_254, %parallel_loop3A_249 : i1
        %parallel_loop3A_256 = arith.addi %parallel_loop3A_247, %parallel_loop3A_246 : i32
        %parallel_loop3A_257 = arith.select %parallel_loop3A_255, %parallel_loop3A_256, %parallel_loop3A_247 : i32
        %parallel_loop3A_258 = arith.constant 16 : i32
        %parallel_loop3A_259 = arith.muli %parallel_loop3A_257, %parallel_loop3A_258 : i32
        %parallel_loop3A_260 = arith.constant 0 : i32
        %parallel_loop3A_261 = arith.addi %add3A_147, %parallel_loop3A_260 : i32
        %parallel_loop3A_262 = arith.constant 0 : i32
        %parallel_loop3A_263 = arith.index_cast %parallel_loop3A_241 : i32 to index
        %parallel_loop3A_264 = arith.index_cast %parallel_loop3A_262 : i32 to index
        %parallel_loop3A_265 = arith.index_cast %parallel_loop3A_259 : i32 to index
        %parallel_loop3A_266 = tpu.vector_load %arg10[%parallel_loop3A_263, %parallel_loop3A_264, %parallel_loop3A_265] {strides = array<i32>} : memref<32x4x128xf32, #tpu.memory_space<vmem>>, vector<16xf32>,
        %parallel_loop3A_267 = arith.addf %broadcast_in_dim3A_150, %parallel_loop3A_215 : vector<16xf32>
        %parallel_loop3A_268 = arith.constant 2.000000e+00 : f32
        %parallel_loop3A_269 = vector.broadcast %parallel_loop3A_268 : f32 to vector<16xf32>
        %parallel_loop3A_270 = arith.mulf %parallel_loop3A_269, %parallel_loop3A_266 : vector<16xf32>
        %parallel_loop3A_271 = arith.subf %parallel_loop3A_267, %parallel_loop3A_270 : vector<16xf32>
        %parallel_loop3A_272 = tpu.bitcast %parallel_loop3A_271 : vector<16xf32> -> vector<16xi32>
        %parallel_loop3A_273 = arith.constant 1 : i32
        %parallel_loop3A_274 = vector.broadcast %parallel_loop3A_273 : i32 to vector<16xi32>
        %parallel_loop3A_275 = arith.shrsi %parallel_loop3A_272, %parallel_loop3A_274 : vector<16xi32>
        %parallel_loop3A_276 = arith.constant 1597463007 : i32
        %parallel_loop3A_277 = vector.broadcast %parallel_loop3A_276 : i32 to vector<16xi32>
        %parallel_loop3A_278 = arith.subi %parallel_loop3A_277, %parallel_loop3A_275 : vector<16xi32>
        %parallel_loop3A_279 = tpu.bitcast %parallel_loop3A_278 : vector<16xi32> -> vector<16xf32>
        %parallel_loop3A_280 = arith.constant 5.000000e-01 : f32
        %parallel_loop3A_281 = vector.broadcast %parallel_loop3A_280 : f32 to vector<16xf32>
        %parallel_loop3A_282 = arith.mulf %parallel_loop3A_281, %parallel_loop3A_271 : vector<16xf32>
        %parallel_loop3A_283 = arith.mulf %parallel_loop3A_282, %parallel_loop3A_279 : vector<16xf32>
        %parallel_loop3A_284 = arith.mulf %parallel_loop3A_283, %parallel_loop3A_279 : vector<16xf32>
        %parallel_loop3A_285 = arith.constant 1.500000e+00 : f32
        %parallel_loop3A_286 = vector.broadcast %parallel_loop3A_285 : f32 to vector<16xf32>
        %parallel_loop3A_287 = arith.subf %parallel_loop3A_286, %parallel_loop3A_284 : vector<16xf32>
        %parallel_loop3A_288 = arith.mulf %parallel_loop3A_279, %parallel_loop3A_287 : vector<16xf32>
        %parallel_loop3A_289 = arith.mulf %parallel_loop3A_271, %parallel_loop3A_288 : vector<16xf32>
        %parallel_loop3A_290 = arith.subf %broadcast_in_dim3A_162, %parallel_loop3A_217 : vector<16xf32>
        %parallel_loop3A_291 = vector.broadcast %parallel_loop3A_261 : i32 to vector<16xi32>
        %parallel_loop3A_292 = arith.cmpi sgt, %parallel_loop3A_213, %parallel_loop3A_291 : vector<16xi32>
        %parallel_loop3A_293 = arith.constant 1 : i32
        %parallel_loop3A_294 = arith.constant 0 : i32
        %parallel_loop3A_295 = vector.broadcast %parallel_loop3A_293 : i32 to vector<16xi32>
        %parallel_loop3A_296 = vector.broadcast %parallel_loop3A_294 : i32 to vector<16xi32>
        %parallel_loop3A_297 = arith.select %parallel_loop3A_292, %parallel_loop3A_295, %parallel_loop3A_296 : vector<16xi1>, vector<16xi32>
        %parallel_loop3A_298 = arith.constant 4 : i32
        %parallel_loop3A_299 = vector.broadcast %parallel_loop3A_298 : i32 to vector<16xi32>
        %parallel_loop3A_300 = arith.addi %parallel_loop3A_213, %parallel_loop3A_299 : vector<16xi32>
        %parallel_loop3A_301 = arith.subi %parallel_loop3A_300, %parallel_loop3A_297 : vector<16xi32>
        %parallel_loop3A_302 = vector.broadcast %parallel_loop3A_261 : i32 to vector<16xi32>
        %parallel_loop3A_303 = arith.cmpi ne, %parallel_loop3A_213, %parallel_loop3A_302 : vector<16xi32>
        tpu.vector_store_idx %arg14[%parallel_loop3A_301], %parallel_loop3A_289 masked %parallel_loop3A_303 : memref<16384xf32, #tpu.memory_space<vmem>>[vector<16xi32>], vector<16xf32>, vector<16xi1>
        tpu.vector_store_idx %arg13[%parallel_loop3A_301], %parallel_loop3A_290 masked %parallel_loop3A_303 : memref<16384xf32, #tpu.memory_space<vmem>>[vector<16xi32>], vector<16xf32>, vector<16xi1>
        %parallel_loop3A_304 = arith.constant 1 : i32
        %parallel_loop3A_305 = arith.addi %add3A_147, %parallel_loop3A_304 : i32
        %parallel_loop3A_306 = arith.constant 1 : i32
        %parallel_loop3A_307 = arith.index_cast %parallel_loop3A_241 : i32 to index
        %parallel_loop3A_308 = arith.index_cast %parallel_loop3A_306 : i32 to index
        %parallel_loop3A_309 = arith.index_cast %parallel_loop3A_259 : i32 to index
        %parallel_loop3A_310 = tpu.vector_load %arg10[%parallel_loop3A_307, %parallel_loop3A_308, %parallel_loop3A_309] {strides = array<i32>} : memref<32x4x128xf32, #tpu.memory_space<vmem>>, vector<16xf32>,
        %parallel_loop3A_311 = arith.addf %broadcast_in_dim3A_153, %parallel_loop3A_215 : vector<16xf32>
        %parallel_loop3A_312 = arith.constant 2.000000e+00 : f32
        %parallel_loop3A_313 = vector.broadcast %parallel_loop3A_312 : f32 to vector<16xf32>
        %parallel_loop3A_314 = arith.mulf %parallel_loop3A_313, %parallel_loop3A_310 : vector<16xf32>
        %parallel_loop3A_315 = arith.subf %parallel_loop3A_311, %parallel_loop3A_314 : vector<16xf32>
        %parallel_loop3A_316 = tpu.bitcast %parallel_loop3A_315 : vector<16xf32> -> vector<16xi32>
        %parallel_loop3A_317 = arith.constant 1 : i32
        %parallel_loop3A_318 = vector.broadcast %parallel_loop3A_317 : i32 to vector<16xi32>
        %parallel_loop3A_319 = arith.shrsi %parallel_loop3A_316, %parallel_loop3A_318 : vector<16xi32>
        %parallel_loop3A_320 = arith.constant 1597463007 : i32
        %parallel_loop3A_321 = vector.broadcast %parallel_loop3A_320 : i32 to vector<16xi32>
        %parallel_loop3A_322 = arith.subi %parallel_loop3A_321, %parallel_loop3A_319 : vector<16xi32>
        %parallel_loop3A_323 = tpu.bitcast %parallel_loop3A_322 : vector<16xi32> -> vector<16xf32>
        %parallel_loop3A_324 = arith.constant 5.000000e-01 : f32
        %parallel_loop3A_325 = vector.broadcast %parallel_loop3A_324 : f32 to vector<16xf32>
        %parallel_loop3A_326 = arith.mulf %parallel_loop3A_325, %parallel_loop3A_315 : vector<16xf32>
        %parallel_loop3A_327 = arith.mulf %parallel_loop3A_326, %parallel_loop3A_323 : vector<16xf32>
        %parallel_loop3A_328 = arith.mulf %parallel_loop3A_327, %parallel_loop3A_323 : vector<16xf32>
        %parallel_loop3A_329 = arith.constant 1.500000e+00 : f32
        %parallel_loop3A_330 = vector.broadcast %parallel_loop3A_329 : f32 to vector<16xf32>
        %parallel_loop3A_331 = arith.subf %parallel_loop3A_330, %parallel_loop3A_328 : vector<16xf32>
        %parallel_loop3A_332 = arith.mulf %parallel_loop3A_323, %parallel_loop3A_331 : vector<16xf32>
        %parallel_loop3A_333 = arith.mulf %parallel_loop3A_315, %parallel_loop3A_332 : vector<16xf32>
        %parallel_loop3A_334 = arith.subf %broadcast_in_dim3A_165, %parallel_loop3A_217 : vector<16xf32>
        %parallel_loop3A_335 = vector.broadcast %parallel_loop3A_305 : i32 to vector<16xi32>
        %parallel_loop3A_336 = arith.cmpi sgt, %parallel_loop3A_213, %parallel_loop3A_335 : vector<16xi32>
        %parallel_loop3A_337 = arith.constant 1 : i32
        %parallel_loop3A_338 = arith.constant 0 : i32
        %parallel_loop3A_339 = vector.broadcast %parallel_loop3A_337 : i32 to vector<16xi32>
        %parallel_loop3A_340 = vector.broadcast %parallel_loop3A_338 : i32 to vector<16xi32>
        %parallel_loop3A_341 = arith.select %parallel_loop3A_336, %parallel_loop3A_339, %parallel_loop3A_340 : vector<16xi1>, vector<16xi32>
        %parallel_loop3A_342 = arith.constant 4099 : i32
        %parallel_loop3A_343 = vector.broadcast %parallel_loop3A_342 : i32 to vector<16xi32>
        %parallel_loop3A_344 = arith.addi %parallel_loop3A_213, %parallel_loop3A_343 : vector<16xi32>
        %parallel_loop3A_345 = arith.subi %parallel_loop3A_344, %parallel_loop3A_341 : vector<16xi32>
        %parallel_loop3A_346 = vector.broadcast %parallel_loop3A_305 : i32 to vector<16xi32>
        %parallel_loop3A_347 = arith.cmpi ne, %parallel_loop3A_213, %parallel_loop3A_346 : vector<16xi32>
        tpu.vector_store_idx %arg14[%parallel_loop3A_345], %parallel_loop3A_333 masked %parallel_loop3A_347 : memref<16384xf32, #tpu.memory_space<vmem>>[vector<16xi32>], vector<16xf32>, vector<16xi1>
        tpu.vector_store_idx %arg13[%parallel_loop3A_345], %parallel_loop3A_334 masked %parallel_loop3A_347 : memref<16384xf32, #tpu.memory_space<vmem>>[vector<16xi32>], vector<16xf32>, vector<16xi1>
        %parallel_loop3A_348 = arith.constant 2 : i32
        %parallel_loop3A_349 = arith.addi %add3A_147, %parallel_loop3A_348 : i32
        %parallel_loop3A_350 = arith.constant 2 : i32
        %parallel_loop3A_351 = arith.index_cast %parallel_loop3A_241 : i32 to index
        %parallel_loop3A_352 = arith.index_cast %parallel_loop3A_350 : i32 to index
        %parallel_loop3A_353 = arith.index_cast %parallel_loop3A_259 : i32 to index
        %parallel_loop3A_354 = tpu.vector_load %arg10[%parallel_loop3A_351, %parallel_loop3A_352, %parallel_loop3A_353] {strides = array<i32>} : memref<32x4x128xf32, #tpu.memory_space<vmem>>, vector<16xf32>,
        %parallel_loop3A_355 = arith.addf %broadcast_in_dim3A_156, %parallel_loop3A_215 : vector<16xf32>
        %parallel_loop3A_356 = arith.constant 2.000000e+00 : f32
        %parallel_loop3A_357 = vector.broadcast %parallel_loop3A_356 : f32 to vector<16xf32>
        %parallel_loop3A_358 = arith.mulf %parallel_loop3A_357, %parallel_loop3A_354 : vector<16xf32>
        %parallel_loop3A_359 = arith.subf %parallel_loop3A_355, %parallel_loop3A_358 : vector<16xf32>
        %parallel_loop3A_360 = tpu.bitcast %parallel_loop3A_359 : vector<16xf32> -> vector<16xi32>
        %parallel_loop3A_361 = arith.constant 1 : i32
        %parallel_loop3A_362 = vector.broadcast %parallel_loop3A_361 : i32 to vector<16xi32>
        %parallel_loop3A_363 = arith.shrsi %parallel_loop3A_360, %parallel_loop3A_362 : vector<16xi32>
        %parallel_loop3A_364 = arith.constant 1597463007 : i32
        %parallel_loop3A_365 = vector.broadcast %parallel_loop3A_364 : i32 to vector<16xi32>
        %parallel_loop3A_366 = arith.subi %parallel_loop3A_365, %parallel_loop3A_363 : vector<16xi32>
        %parallel_loop3A_367 = tpu.bitcast %parallel_loop3A_366 : vector<16xi32> -> vector<16xf32>
        %parallel_loop3A_368 = arith.constant 5.000000e-01 : f32
        %parallel_loop3A_369 = vector.broadcast %parallel_loop3A_368 : f32 to vector<16xf32>
        %parallel_loop3A_370 = arith.mulf %parallel_loop3A_369, %parallel_loop3A_359 : vector<16xf32>
        %parallel_loop3A_371 = arith.mulf %parallel_loop3A_370, %parallel_loop3A_367 : vector<16xf32>
        %parallel_loop3A_372 = arith.mulf %parallel_loop3A_371, %parallel_loop3A_367 : vector<16xf32>
        %parallel_loop3A_373 = arith.constant 1.500000e+00 : f32
        %parallel_loop3A_374 = vector.broadcast %parallel_loop3A_373 : f32 to vector<16xf32>
        %parallel_loop3A_375 = arith.subf %parallel_loop3A_374, %parallel_loop3A_372 : vector<16xf32>
        %parallel_loop3A_376 = arith.mulf %parallel_loop3A_367, %parallel_loop3A_375 : vector<16xf32>
        %parallel_loop3A_377 = arith.mulf %parallel_loop3A_359, %parallel_loop3A_376 : vector<16xf32>
        %parallel_loop3A_378 = arith.subf %broadcast_in_dim3A_168, %parallel_loop3A_217 : vector<16xf32>
        %parallel_loop3A_379 = vector.broadcast %parallel_loop3A_349 : i32 to vector<16xi32>
        %parallel_loop3A_380 = arith.cmpi sgt, %parallel_loop3A_213, %parallel_loop3A_379 : vector<16xi32>
        %parallel_loop3A_381 = arith.constant 1 : i32
        %parallel_loop3A_382 = arith.constant 0 : i32
        %parallel_loop3A_383 = vector.broadcast %parallel_loop3A_381 : i32 to vector<16xi32>
        %parallel_loop3A_384 = vector.broadcast %parallel_loop3A_382 : i32 to vector<16xi32>
        %parallel_loop3A_385 = arith.select %parallel_loop3A_380, %parallel_loop3A_383, %parallel_loop3A_384 : vector<16xi1>, vector<16xi32>
        %parallel_loop3A_386 = arith.constant 8194 : i32
        %parallel_loop3A_387 = vector.broadcast %parallel_loop3A_386 : i32 to vector<16xi32>
        %parallel_loop3A_388 = arith.addi %parallel_loop3A_213, %parallel_loop3A_387 : vector<16xi32>
        %parallel_loop3A_389 = arith.subi %parallel_loop3A_388, %parallel_loop3A_385 : vector<16xi32>
        %parallel_loop3A_390 = vector.broadcast %parallel_loop3A_349 : i32 to vector<16xi32>
        %parallel_loop3A_391 = arith.cmpi ne, %parallel_loop3A_213, %parallel_loop3A_390 : vector<16xi32>
        tpu.vector_store_idx %arg14[%parallel_loop3A_389], %parallel_loop3A_377 masked %parallel_loop3A_391 : memref<16384xf32, #tpu.memory_space<vmem>>[vector<16xi32>], vector<16xf32>, vector<16xi1>
        tpu.vector_store_idx %arg13[%parallel_loop3A_389], %parallel_loop3A_378 masked %parallel_loop3A_391 : memref<16384xf32, #tpu.memory_space<vmem>>[vector<16xi32>], vector<16xf32>, vector<16xi1>
        %parallel_loop3A_392 = arith.constant 3 : i32
        %parallel_loop3A_393 = arith.addi %add3A_147, %parallel_loop3A_392 : i32
        %parallel_loop3A_394 = arith.constant 3 : i32
        %parallel_loop3A_395 = arith.index_cast %parallel_loop3A_241 : i32 to index
        %parallel_loop3A_396 = arith.index_cast %parallel_loop3A_394 : i32 to index
        %parallel_loop3A_397 = arith.index_cast %parallel_loop3A_259 : i32 to index
        %parallel_loop3A_398 = tpu.vector_load %arg10[%parallel_loop3A_395, %parallel_loop3A_396, %parallel_loop3A_397] {strides = array<i32>} : memref<32x4x128xf32, #tpu.memory_space<vmem>>, vector<16xf32>,
        %parallel_loop3A_399 = arith.addf %broadcast_in_dim3A_159, %parallel_loop3A_215 : vector<16xf32>
        %parallel_loop3A_400 = arith.constant 2.000000e+00 : f32
        %parallel_loop3A_401 = vector.broadcast %parallel_loop3A_400 : f32 to vector<16xf32>
        %parallel_loop3A_402 = arith.mulf %parallel_loop3A_401, %parallel_loop3A_398 : vector<16xf32>
        %parallel_loop3A_403 = arith.subf %parallel_loop3A_399, %parallel_loop3A_402 : vector<16xf32>
        %parallel_loop3A_404 = tpu.bitcast %parallel_loop3A_403 : vector<16xf32> -> vector<16xi32>
        %parallel_loop3A_405 = arith.constant 1 : i32
        %parallel_loop3A_406 = vector.broadcast %parallel_loop3A_405 : i32 to vector<16xi32>
        %parallel_loop3A_407 = arith.shrsi %parallel_loop3A_404, %parallel_loop3A_406 : vector<16xi32>
        %parallel_loop3A_408 = arith.constant 1597463007 : i32
        %parallel_loop3A_409 = vector.broadcast %parallel_loop3A_408 : i32 to vector<16xi32>
        %parallel_loop3A_410 = arith.subi %parallel_loop3A_409, %parallel_loop3A_407 : vector<16xi32>
        %parallel_loop3A_411 = tpu.bitcast %parallel_loop3A_410 : vector<16xi32> -> vector<16xf32>
        %parallel_loop3A_412 = arith.constant 5.000000e-01 : f32
        %parallel_loop3A_413 = vector.broadcast %parallel_loop3A_412 : f32 to vector<16xf32>
        %parallel_loop3A_414 = arith.mulf %parallel_loop3A_413, %parallel_loop3A_403 : vector<16xf32>
        %parallel_loop3A_415 = arith.mulf %parallel_loop3A_414, %parallel_loop3A_411 : vector<16xf32>
        %parallel_loop3A_416 = arith.mulf %parallel_loop3A_415, %parallel_loop3A_411 : vector<16xf32>
        %parallel_loop3A_417 = arith.constant 1.500000e+00 : f32
        %parallel_loop3A_418 = vector.broadcast %parallel_loop3A_417 : f32 to vector<16xf32>
        %parallel_loop3A_419 = arith.subf %parallel_loop3A_418, %parallel_loop3A_416 : vector<16xf32>
        %parallel_loop3A_420 = arith.mulf %parallel_loop3A_411, %parallel_loop3A_419 : vector<16xf32>
        %parallel_loop3A_421 = arith.mulf %parallel_loop3A_403, %parallel_loop3A_420 : vector<16xf32>
        %parallel_loop3A_422 = arith.subf %broadcast_in_dim3A_171, %parallel_loop3A_217 : vector<16xf32>
        %parallel_loop3A_423 = vector.broadcast %parallel_loop3A_393 : i32 to vector<16xi32>
        %parallel_loop3A_424 = arith.cmpi sgt, %parallel_loop3A_213, %parallel_loop3A_423 : vector<16xi32>
        %parallel_loop3A_425 = arith.constant 1 : i32
        %parallel_loop3A_426 = arith.constant 0 : i32
        %parallel_loop3A_427 = vector.broadcast %parallel_loop3A_425 : i32 to vector<16xi32>
        %parallel_loop3A_428 = vector.broadcast %parallel_loop3A_426 : i32 to vector<16xi32>
        %parallel_loop3A_429 = arith.select %parallel_loop3A_424, %parallel_loop3A_427, %parallel_loop3A_428 : vector<16xi1>, vector<16xi32>
        %parallel_loop3A_430 = arith.constant 12289 : i32
        %parallel_loop3A_431 = vector.broadcast %parallel_loop3A_430 : i32 to vector<16xi32>
        %parallel_loop3A_432 = arith.addi %parallel_loop3A_213, %parallel_loop3A_431 : vector<16xi32>
        %parallel_loop3A_433 = arith.subi %parallel_loop3A_432, %parallel_loop3A_429 : vector<16xi32>
        %parallel_loop3A_434 = vector.broadcast %parallel_loop3A_393 : i32 to vector<16xi32>
        %parallel_loop3A_435 = arith.cmpi ne, %parallel_loop3A_213, %parallel_loop3A_434 : vector<16xi32>
        tpu.vector_store_idx %arg14[%parallel_loop3A_433], %parallel_loop3A_421 masked %parallel_loop3A_435 : memref<16384xf32, #tpu.memory_space<vmem>>[vector<16xi32>], vector<16xf32>, vector<16xi1>
        tpu.vector_store_idx %arg13[%parallel_loop3A_433], %parallel_loop3A_422 masked %parallel_loop3A_435 : memref<16384xf32, #tpu.memory_space<vmem>>[vector<16xi32>], vector<16xf32>, vector<16xi1>
      } {sc.loop_unroll_factor = 4 : i64, sc.parallel_access}
      %iota3A_176 = tpu.iota {dimensions = array<i32: 0>} : vector<16xi32>
      %ge3A = arith.constant 8 : i32
      %ge3A_177 = vector.broadcast %ge3A : i32 to vector<16xi32>
      %ge3A_178 = arith.cmpi sge, %iota3A_176, %ge3A_177 : vector<16xi32>
      %lt3A_179 = arith.constant 12 : i32
      %lt3A_180 = vector.broadcast %lt3A_179 : i32 to vector<16xi32>
      %lt3A_181 = arith.cmpi slt, %iota3A_176, %lt3A_180 : vector<16xi32>
      %and3A = arith.andi %ge3A_178, %lt3A_181 : vector<16xi1>
      %sub3A = arith.constant 8 : i32
      %sub3A_182 = vector.broadcast %sub3A : i32 to vector<16xi32>
      %sub3A_183 = arith.subi %iota3A_176, %sub3A_182 : vector<16xi32>
      %get3A_184 = arith.constant 16368 : index
      %get3A_185 = tpu.vector_load %arg11[%get3A_184] {strides = array<i32>} : memref<16384xf32, #tpu.memory_space<vmem>>, vector<16xf32>,
      tpu.vector_store_idx %arg13[%sub3A_183], %get3A_185 masked %and3A : memref<16384xf32, #tpu.memory_space<vmem>>[vector<16xi32>], vector<16xf32>, vector<16xi1>
      %get3A_186 = arith.constant 16368 : index
      %get3A_187 = tpu.vector_load %arg12[%get3A_186] {strides = array<i32>} : memref<16384xf32, #tpu.memory_space<vmem>>, vector<16xf32>,
      tpu.vector_store_idx %arg14[%sub3A_183], %get3A_187 masked %and3A : memref<16384xf32, #tpu.memory_space<vmem>>[vector<16xi32>], vector<16xf32>, vector<16xi1>
      %mul3A_188 = arith.constant 4095 : i32
      %mul3A_189 = arith.muli %add3A_61, %mul3A_188 : i32
      %add3A_190 = arith.constant 16376 : i32
      %add3A_191 = arith.addi %mul3A_189, %add3A_190 : i32
      %dma_start3A_192 = arith.constant 0 : i32
      %dma_start3A_193 = tpu.memref_slice %arg13[%dma_start3A_192] : memref<16384xf32, #tpu.memory_space<vmem>> -> memref<16384xf32, #tpu.memory_space<vmem>>
      %dma_start3A_194 = tpu.memref_slice %arg5[%add3A_191] : memref<16773120xf32, #tpu.memory_space<hbm>> -> memref<16384xf32, #tpu.memory_space<hbm>>
      %dma_start3A_195 = tpu.memref_slice %arg5[%add3A_191] : memref<16773120xf32, #tpu.memory_space<hbm>> -> memref<16384xf32, #tpu.memory_space<hbm>>
      %dma_start3A_196 = arith.constant 0 : i32
      %dma_start3A_197 = tpu.memref_slice %arg13[%dma_start3A_196] : memref<16384xf32, #tpu.memory_space<vmem>> -> memref<16384xf32, #tpu.memory_space<vmem>>
      tpu.enqueue_dma source(%dma_start3A_197 : memref<16384xf32, #tpu.memory_space<vmem>>) target(%dma_start3A_195 : memref<16384xf32, #tpu.memory_space<hbm>>) target_semaphore(%arg19 : memref<!tpu.dma_semaphore, #tpu.memory_space<semaphore_mem>>)
      %mul3A_198 = arith.constant 4095 : i32
      %mul3A_199 = arith.muli %add3A_61, %mul3A_198 : i32
      %add3A_200 = arith.constant 16376 : i32
      %add3A_201 = arith.addi %mul3A_199, %add3A_200 : i32
      %dma_start3A_202 = arith.constant 0 : i32
      %dma_start3A_203 = tpu.memref_slice %arg14[%dma_start3A_202] : memref<16384xf32, #tpu.memory_space<vmem>> -> memref<16384xf32, #tpu.memory_space<vmem>>
      %dma_start3A_204 = tpu.memref_slice %arg6[%add3A_201] : memref<16773120xf32, #tpu.memory_space<hbm>> -> memref<16384xf32, #tpu.memory_space<hbm>>
      %dma_start3A_205 = tpu.memref_slice %arg6[%add3A_201] : memref<16773120xf32, #tpu.memory_space<hbm>> -> memref<16384xf32, #tpu.memory_space<hbm>>
      %dma_start3A_206 = arith.constant 0 : i32
      %dma_start3A_207 = tpu.memref_slice %arg14[%dma_start3A_206] : memref<16384xf32, #tpu.memory_space<vmem>> -> memref<16384xf32, #tpu.memory_space<vmem>>
      tpu.enqueue_dma source(%dma_start3A_207 : memref<16384xf32, #tpu.memory_space<vmem>>) target(%dma_start3A_205 : memref<16384xf32, #tpu.memory_space<hbm>>) target_semaphore(%arg19 : memref<!tpu.dma_semaphore, #tpu.memory_space<semaphore_mem>>)
      %scan3A_208 = arith.constant 0 : i32
      scf.yield %scan3A_208 : i32
    }
    %scan3A_19 = arith.constant 16 : i32
    %add3A_20 = arith.constant 120 : i32
    %add3A_21 = arith.addi %mul3A_2, %add3A_20 : i32
    %mul3A_22 = arith.constant 4095 : i32
    %mul3A_23 = arith.muli %add3A_21, %mul3A_22 : i32
    %dma_wait3A = arith.constant 0 : i32
    %dma_wait3A_24 = tpu.memref_slice %arg11[%dma_wait3A] : memref<16384xf32, #tpu.memory_space<vmem>> -> memref<16376xf32, #tpu.memory_space<vmem>>
    %dma_wait3A_25 = tpu.memref_slice %arg5[%mul3A_23] : memref<16773120xf32, #tpu.memory_space<hbm>> -> memref<16376xf32, #tpu.memory_space<hbm>>
    %dma_wait3A_26 = tpu.memref_slice %arg5[%mul3A_23] : memref<16773120xf32, #tpu.memory_space<hbm>> -> memref<16376xf32, #tpu.memory_space<hbm>>
    %dma_wait3A_27 = arith.constant 0 : i32
    %dma_wait3A_28 = tpu.memref_slice %arg11[%dma_wait3A_27] : memref<16384xf32, #tpu.memory_space<vmem>> -> memref<16376xf32, #tpu.memory_space<vmem>>
    tpu.wait_dma2 semaphore(%arg18 : memref<!tpu.dma_semaphore, #tpu.memory_space<semaphore_mem>>) src(%dma_wait3A_28 : memref<16376xf32, #tpu.memory_space<vmem>>) dst(%dma_wait3A_26 : memref<16376xf32, #tpu.memory_space<hbm>>)
    %mul3A_29 = arith.constant 4095 : i32
    %mul3A_30 = arith.muli %add3A_21, %mul3A_29 : i32
    %dma_wait3A_31 = arith.constant 0 : i32
    %dma_wait3A_32 = tpu.memref_slice %arg12[%dma_wait3A_31] : memref<16384xf32, #tpu.memory_space<vmem>> -> memref<16376xf32, #tpu.memory_space<vmem>>
    %dma_wait3A_33 = tpu.memref_slice %arg6[%mul3A_30] : memref<16773120xf32, #tpu.memory_space<hbm>> -> memref<16376xf32, #tpu.memory_space<hbm>>
    %dma_wait3A_34 = tpu.memref_slice %arg6[%mul3A_30] : memref<16773120xf32, #tpu.memory_space<hbm>> -> memref<16376xf32, #tpu.memory_space<hbm>>
    %dma_wait3A_35 = arith.constant 0 : i32
    %dma_wait3A_36 = tpu.memref_slice %arg12[%dma_wait3A_35] : memref<16384xf32, #tpu.memory_space<vmem>> -> memref<16376xf32, #tpu.memory_space<vmem>>
    tpu.wait_dma2 semaphore(%arg18 : memref<!tpu.dma_semaphore, #tpu.memory_space<semaphore_mem>>) src(%dma_wait3A_36 : memref<16376xf32, #tpu.memory_space<vmem>>) dst(%dma_wait3A_34 : memref<16376xf32, #tpu.memory_space<hbm>>)
    %mul3A_37 = arith.constant 4095 : i32
    %mul3A_38 = arith.muli %add3A_21, %mul3A_37 : i32
    %add3A_39 = arith.constant 16376 : i32
    %add3A_40 = arith.addi %mul3A_38, %add3A_39 : i32
    %dma_wait3A_41 = arith.constant 0 : i32
    %dma_wait3A_42 = tpu.memref_slice %arg13[%dma_wait3A_41] : memref<16384xf32, #tpu.memory_space<vmem>> -> memref<16384xf32, #tpu.memory_space<vmem>>
    %dma_wait3A_43 = tpu.memref_slice %arg5[%add3A_40] : memref<16773120xf32, #tpu.memory_space<hbm>> -> memref<16384xf32, #tpu.memory_space<hbm>>
    %dma_wait3A_44 = tpu.memref_slice %arg5[%add3A_40] : memref<16773120xf32, #tpu.memory_space<hbm>> -> memref<16384xf32, #tpu.memory_space<hbm>>
    %dma_wait3A_45 = arith.constant 0 : i32
    %dma_wait3A_46 = tpu.memref_slice %arg13[%dma_wait3A_45] : memref<16384xf32, #tpu.memory_space<vmem>> -> memref<16384xf32, #tpu.memory_space<vmem>>
    tpu.wait_dma2 semaphore(%arg19 : memref<!tpu.dma_semaphore, #tpu.memory_space<semaphore_mem>>) src(%dma_wait3A_46 : memref<16384xf32, #tpu.memory_space<vmem>>) dst(%dma_wait3A_44 : memref<16384xf32, #tpu.memory_space<hbm>>)
    %mul3A_47 = arith.constant 4095 : i32
    %mul3A_48 = arith.muli %add3A_21, %mul3A_47 : i32
    %add3A_49 = arith.constant 16376 : i32
    %add3A_50 = arith.addi %mul3A_48, %add3A_49 : i32
    %dma_wait3A_51 = arith.constant 0 : i32
    %dma_wait3A_52 = tpu.memref_slice %arg14[%dma_wait3A_51] : memref<16384xf32, #tpu.memory_space<vmem>> -> memref<16384xf32, #tpu.memory_space<vmem>>
    %dma_wait3A_53 = tpu.memref_slice %arg6[%add3A_50] : memref<16773120xf32, #tpu.memory_space<hbm>> -> memref<16384xf32, #tpu.memory_space<hbm>>
    %dma_wait3A_54 = tpu.memref_slice %arg6[%add3A_50] : memref<16773120xf32, #tpu.memory_space<hbm>> -> memref<16384xf32, #tpu.memory_space<hbm>>
    %dma_wait3A_55 = arith.constant 0 : i32
    %dma_wait3A_56 = tpu.memref_slice %arg14[%dma_wait3A_55] : memref<16384xf32, #tpu.memory_space<vmem>> -> memref<16384xf32, #tpu.memory_space<vmem>>
    tpu.wait_dma2 semaphore(%arg19 : memref<!tpu.dma_semaphore, #tpu.memory_space<semaphore_mem>>) src(%dma_wait3A_56 : memref<16384xf32, #tpu.memory_space<vmem>>) dst(%dma_wait3A_54 : memref<16384xf32, #tpu.memory_space<hbm>>)
    return
  }
}

module attributes {stable_mosaic.version = 14 : i64} {
  func.func @_diag_body(%arg0: i32, %arg1: memref<256x256xf32, #tpu.memory_space<vmem>>, %arg2: memref<256x1xf32, #tpu.memory_space<vmem>>) attributes {dimension_semantics = [#tpu.dimension_semantics<arbitrary>], iteration_bounds = array<i64: 16>, scalar_prefetch = 0 : i64, scratch_operands = 0 : i64, tpu.core_type = #tpu.core_type<tc>, window_params = [{transform_indices = @transform_0, window_bounds = array<i64: 256, 256>}, {transform_indices = @transform_1, window_bounds = array<i64: 256, 1>}]} {
    %iota3A = tpu.iota {dimensions = array<i32: 0>} : vector<256x256xi32>
    %iota3A_0 = tpu.iota {dimensions = array<i32: 1>} : vector<256x256xi32>
    %eq3A = arith.cmpi eq, %iota3A, %iota3A_0 : vector<256x256xi32>
    %get3A = arith.constant 0 : index
    %get3A_1 = arith.constant 0 : index
    %get3A_2 = vector.load %arg1[%get3A, %get3A_1] : memref<256x256xf32, #tpu.memory_space<vmem>>, vector<256x256xf32>
    %jit3A = arith.constant 0.000000e+00 : f32
    %broadcast_in_dim3A = vector.broadcast %jit3A : f32 to vector<256x256xf32>
    %select_n3A = arith.select %eq3A, %get3A_2, %broadcast_in_dim3A : vector<256x256xi1>, vector<256x256xf32>
    %reduce_sum3A = arith.constant dense<0.000000e+00> : vector<256xf32>
    %reduce_sum3A_3 = vector.multi_reduction <add>, %select_n3A, %reduce_sum3A [1] : vector<256x256xf32> to vector<256xf32>
    %broadcast_in_dim3A_4 = vector.shape_cast %reduce_sum3A_3 : vector<256xf32> to vector<256x1xf32>
    %swap3A = arith.constant 0 : index
    %swap3A_5 = arith.constant 0 : index
    %swap3A_6 = vector.load %arg2[%swap3A, %swap3A_5] : memref<256x1xf32, #tpu.memory_space<vmem>>, vector<256x1xf32>
    tpu.vector_store %arg2[%swap3A, %swap3A_5], %broadcast_in_dim3A_4 {strides = array<i32>} : memref<256x1xf32, #tpu.memory_space<vmem>>, vector<256x1xf32>,
    return
  }
  func.func @transform_0(%arg0: i32) -> (i32, i32) {
    %c0_i32 = arith.constant 0 : i32
    return %arg0, %arg0 : i32, i32
  }
  func.func @transform_1(%arg0: i32) -> (i32, i32) {
    %c0_i32 = arith.constant 0 : i32
    %c0_i32_0 = arith.constant 0 : i32
    return %arg0, %c0_i32 : i32, i32
  }
}

</mosaic_0001>

<sc_bundles>
// kernel: kernel.4.cloned.1.call-start
scs
__scs_entry_jumppad:
0x0: {  	(pc) =	sbr.rel $0x88, $3  }
0x1: {  	(tag) =	ssettag $0x0;
	lr =	simm.s32 $0x1  }
0x2: {  	[smem:$0x3F9F] =	sst lr;
	_ =	strace $0xD0000000  }
0x3: {  	_ = 	snop  }
0x4: {  	_ = 	snop  }
0x5: {  	_ = 	snop  }
0x6: {  	_ = 	snop  }
0x7: {  	_ = 	snop  }
__scs_overlays_trampoline_lowered:
0x8: {  	[smem:$0x3FAE] =	sst s0  }
0x9: {  	[smem:$0x3FAF] =	sst s1  }
0xa: {  	[smem:$0x3FB0] =	sst s2  }
0xb: {  	[smem:$0x3FB1] =	sst s3  }
0xc: {  	[smem:$0x3FB2] =	sst s4  }
0xd: {  	[smem:$0x3FB3] =	sst s5  }
0xe: {  	[smem:$0x3FB4] =	sst s6  }
0xf: {  	[smem:$0x3FB5] =	sst s7  }
0x10: {  	[smem:$0x3FB6] =	sst s8  }
0x11: {  	[smem:$0x3FB7] =	sst s9;
	s0 =	simm.s32 @!p0 $0x0  }
0x12: {  	s1 =	sld [smem:$0x3F9D];
	s0 =	simm.s32 @p0 $0x1  }
0x13: {  	[smem:$0x3FB8] =	sst s0;
	s0 =	simm.s32 @!p1 $0x0  }
0x14: {  	s2 =	sld [smem:$0x3F9C];
	s0 =	simm.s32 @p1 $0x1  }
0x15: {  	[smem:$0x3FB9] =	sst s0;
	s0 =	simm.s32 @!p2 $0x0  }
0x16: {  	s3 =	sld [smem:$0x3FDB];
	s0 =	simm.s32 @p2 $0x1  }
0x17: {  	s4 =	simm.s32 $0x1BF5;
	[smem:$0x3FBB] =	sst s0  }
0x18: {  	s0 =	sld [smem:$0x3F9E];
	_ =	swait.ge [sflag:s4], $0x0  }
0x19: {  	s7 =	sld [smem:$0x3F9F]  }
0x1a: {  	s8 =	sadd.s32 $0xFFFFE003, lr  }
0x1b: {  	s9 =	sadd.s32 $0xFFFFFEF7, lr;
	s5 =	simm.s32 $0xFFFFFFFF;
	p2 =	slt.u32 s8, $0xFFFFF086  }
0x1c: {  	p1 =	slt.u32 s9, $0xF7A;
	s5 =	simm.s32 @!p2 $0x0  }
0x1d: {  	s5 =	simm.s32 @p1 $0x1;
	p0 =	seq.s32 s7, s2  }
0x1e: {  	s7 =	smul.u32 @!p0 $0xF7A, s2;
	p2 =	seq.s32 @!p0 s5, $0x0  }
0x1f: {  	s9 =	smul.u32 $0xF7A, s1;
	s8 =	simm.s32 @!p0 $0x1BF5;
	p2 =	por !p2, p0  }
0x20: {  	[sflag:s8] =	ssyncset.s32 @!p0 $0xFFFFF086;
	s6 =	sadd.s32 @!p0 s3, s7;
	s7 =	simm.s32 @!p0 $0x108  }
0x21: {  	s3 =	sadd.s32 s3, s9;
	s6 =	sadd.s32 @!p0 $0x88, s6;
	s7 =	simm.s32 @p2 $0x1082  }
0x22: {  	[simem:s7], [sflag:s8] =	dma.local @!p0 [hbm:s6], $0xF7A  }
0x23: {  	s9 =	sor.u32 $0xD0000000, s2;
	s6 =	simm.s32 $0x108;
	_ =	swait.ge @!p0 [sflag:s8], $0x0  }
0x24: {  	s3 =	sadd.s32 $0x88, s3;
	s6 =	simm.s32 @!p1 $0x1082;
	[sflag:s4] =	ssyncset.s32 $0xFFFFF086  }
0x25: {  	[simem:s6], [sflag:s4] =	dma.local [hbm:s3], $0xF7A  }
0x26: {  	[smem:$0x3F9F] =	sst s1;
	(tag) =	ssettag s2;
	_ =	strace s9  }
0x27: {  	s1 =	sld [smem:$0x3FAF]  }
0x28: {  	s2 =	sld [smem:$0x3FB0]  }
0x29: {  	s4 =	sld [smem:$0x3FB2]  }
0x2a: {  	p0 =	seq.s32 s5, $0x0;
	s5 =	sld [smem:$0x3FB3]  }
0x2b: {  	s6 =	sld [smem:$0x3FB4]  }
0x2c: {  	s7 =	sld [smem:$0x3FB5]  }
0x2d: {  	s3 =	simm.s32 $0x108;
	s8 =	sld [smem:$0x3FB6]  }
0x2e: {  	s3 =	simm.s32 @!p0 $0x1082;
	s9 =	sld [smem:$0x3FB7]  }
0x2f: {  	lr =	sadd.s32 s0, s3;
	s0 =	sld [smem:$0x3FAE]  }
0x30: {  	s3 =	sld [smem:$0x3FB1]  }
0x31: {  	[smem:$0x3FBA] =	sst s10  }
0x32: {  	s10 =	sld [smem:$0x3FB8];
	_ =	sdelay $0x3  }
0x33: {  	p0 =	seq.s32 s10, $0x1;
	s10 =	sld [smem:$0x3FBA];
	_ =	sdelay $0x3  }
0x34: {  	[smem:$0x3FBA] =	sst s10  }
0x35: {  	s10 =	sld [smem:$0x3FB9];
	_ =	sdelay $0x3  }
0x36: {  	p1 =	seq.s32 s10, $0x1;
	s10 =	sld [smem:$0x3FBA];
	_ =	sdelay $0x3  }
0x37: {  	[smem:$0x3FBA] =	sst s10  }
0x38: {  	s10 =	sld [smem:$0x3FBB]  }
0x39: {  	_ = 	snop;
	(pc) =	sbr.ind lr, $3  }
0x3a: {  	_ = 	snop  }
0x3b: {  	_ = 	snop  }
0x3c: {  	p2 =	seq.s32 s10, $0x1;
	s10 =	sld [smem:$0x3FBA]  }
0x3d: {  	_ =	shalt  }
0x3e: {  	_ =	shalt  }
0x3f: {  	_ =	shalt  }
0x40: {  	_ =	shalt  }
0x41: {  	_ =	shalt  }
0x42: {  	_ =	shalt  }
0x43: {  	_ =	shalt  }
0x44: {  	_ =	shalt  }
0x45: {  	_ =	shalt  }
0x46: {  	_ =	shalt  }
0x47: {  	_ =	shalt  }
0x48: {  	_ =	shalt  }
0x49: {  	_ =	shalt  }
0x4a: {  	_ =	shalt  }
0x4b: {  	_ =	shalt  }
0x4c: {  	_ =	shalt  }
0x4d: {  	_ =	shalt  }
0x4e: {  	_ =	shalt  }
0x4f: {  	_ =	shalt  }
0x50: {  	_ =	shalt  }
0x51: {  	_ =	shalt  }
0x52: {  	_ =	shalt  }
0x53: {  	_ =	shalt  }
0x54: {  	_ =	shalt  }
0x55: {  	_ =	shalt  }
0x56: {  	_ =	shalt  }
0x57: {  	_ =	shalt  }
0x58: {  	_ =	shalt  }
0x59: {  	_ =	shalt  }
0x5a: {  	_ =	shalt  }
0x5b: {  	_ =	shalt  }
0x5c: {  	_ =	shalt  }
0x5d: {  	_ =	shalt  }
0x5e: {  	_ =	shalt  }
0x5f: {  	_ =	shalt  }
0x60: {  	_ =	shalt  }
0x61: {  	_ =	shalt  }
0x62: {  	_ =	shalt  }
0x63: {  	_ =	shalt  }
0x64: {  	_ =	shalt  }
0x65: {  	_ =	shalt  }
0x66: {  	_ =	shalt  }
0x67: {  	_ =	shalt  }
0x68: {  	_ =	shalt  }
0x69: {  	_ =	shalt  }
0x6a: {  	_ =	shalt  }
0x6b: {  	_ =	shalt  }
0x6c: {  	_ =	shalt  }
0x6d: {  	_ =	shalt  }
0x6e: {  	_ =	shalt  }
0x6f: {  	_ =	shalt  }
0x70: {  	_ =	shalt  }
0x71: {  	_ =	shalt  }
0x72: {  	_ =	shalt  }
0x73: {  	_ =	shalt  }
0x74: {  	_ =	shalt  }
0x75: {  	_ =	shalt  }
0x76: {  	_ =	shalt  }
0x77: {  	_ =	shalt  }
0x78: {  	_ =	shalt  }
0x79: {  	_ =	shalt  }
0x7a: {  	_ =	shalt  }
0x7b: {  	_ =	shalt  }
0x7c: {  	_ =	shalt  }
0x7d: {  	_ =	shalt  }
0x7e: {  	_ =	shalt  }
0x7f: {  	_ =	shalt  }
0x80: {  	_ =	shalt  }
0x81: {  	_ =	shalt  }
0x82: {  	_ =	shalt  }
0x83: {  	_ =	shalt  }
0x84: {  	_ =	shalt  }
0x85: {  	_ =	shalt  }
0x86: {  	_ =	shalt  }
0x87: {  	_ =	shalt  }
.Lfunc_end0:
.L_simem_size_0:
called_computation_lowered:
.L_overlay_start_0:
0x88: {  	s2 =	sld [smem:$0x3FD9]  }
0x89: {  	s3 =	sld [smem:$0x3FFE];
	_ =	sdelay $0x1  }
0x8a: {  	s1 =	srdreg.scid  }
0x8b: {  	s0 =	sand.u32 $0x1, s1  }
0x8c: {  	s14 =	sshll.u32 s0, $0xA;
	s2 =	sadd.s32 s3, s2  }
0x8d: {  	s2 =	sadd.s32 s2, s14  }
0x8e: {  	[smem:$0x3FC6] =	sst s2  }
0x8f: {  	_ = 	snop  }
0x90: {  	s2 =	sld [smem:$0x3FD0];
	_ =	sdelay $0x1  }
0x91: {  	s15 =	sld [smem:$0x3FC9]  }
0x92: {  	s5 =	simm.s32 $0xA;
	s6 =	simm.s32 $0x10;
	s4 =	sld [smem:$0x3FC8]  }
0x93: {  	[smem:s6], [sflag:s5] =	dma.local [hbm:s2], $0x1  }
0x94: {  	_ =	swait.eq [sflag:s5], $0x1  }
0x95: {  	[sflag:s5] =	ssyncset.done $0x0  }
0x96: {  	s16 =	sld [smem:$0x10];
	[sflag:s5] =	ssyncadd.s32 $0xFFFFFFFF  }
0x97: {  	s17 =	sld [smem:$0x11];
	(tm) =	ssettm $0x1  }
0x98: {  	s18 =	sld [smem:$0x3FFB];
	_ =	sdelay $0x3  }
0x99: {  	_ =	strace s18  }
0x9a: {  	s6 =	sld [smem:$0x3FFC];
	_ =	sdelay $0x3  }
0x9b: {  	_ =	strace s6  }
0x9c: {  	s6 =	sld [smem:$0x3FFD];
	_ =	sdelay $0x3  }
0x9d: {  	_ =	strace s6  }
0x9e: {  	_ =	strace $0x8FFFFFFF  }
0x9f: {  	s19 =	sld [smem:$0x3FDB];
	_ =	sdelay $0x1  }
0xa0: {  	s7 =	simm.s32 $_scs_section_size  }
0xa1: {  	s8 =	simm.s32 $_size__tile_overlayer_lowered;
	s9 =	simm.s32 $_tile_overlayer_lowered  }
0xa2: {  	s22 =	simm.s32 $0x1BFF;
	s21 =	sshll.u32 s9, $0x1;
	s6 =	sadd.s32 s7, s19  }
0xa3: {  	s10 =	simm.s32 $0x0;
	s20 =	sshll.u32 s8, $0x1;
	s8 =	sadd.s32 s21, s6  }
0xa4: {  	[timem:s10], [sflag:s22] =	dma.local [hbm:s8], s20  }
0xa5: {  	_ =	swait.ge [sflag:s22], s20  }
0xa6: {  	s7 =	ssub.s32 $0x0, s20;
	[sflag:s22] =	ssyncset.done $0x0  }
0xa7: {  	[sflag:s22] =	ssyncadd.s32 s7;
	_ =	sdelay $0x1  }
0xa8: {  	s23 =	simm.s32 $0x1B8B  }
0xa9: {  	_ =	swait.ge [sflag:s23], $0x1  }
0xaa: {  	[sflag:s23] =	ssyncset.done $0x0  }
0xab: {  	s25 =	simm.s32 $0x1B8E;
	s24 =	sld [smem:$0x3FFE];
	[sflag:s23] =	ssyncadd.s32 $0xFFFFFFFF  }
0xac: {  	s26 =	simm.s32 $execute0_lowered;
	[smem:$0x3FD2] =	sst s25  }
0xad: {  	s8 =	sshll.u32 s26, $0x1;
	_ =	strace $0x80000046;
	[dreg:$0x1] =	wrdreg $0xFFFFFFFF  }
0xae: {  	s28 =	simm.s32 $_size_execute0_lowered;
	s6 =	sadd.s32 s6, s8;
	[dreg:$0x0] =	wrdreg $0x0  }
0xaf: {  	s8 =	sshll.u32 s28, $0x1;
	[dreg:$0x2] =	wrdreg s6  }
0xb0: {  	[dreg:$0x3] =	wrdreg s8  }
0xb1: {  	[dreg:$0x4] =	wrdreg $0xC0  }
0xb2: {  	_ =	task [dreg:s10], $0x5FFFF  }
0xb3: {  	[dreg:$0x1] =	wrdreg $0xFFFFFFFF  }
0xb4: {  	[dreg:$0x0] =	wrdreg $0x60  }
0xb5: {  	[dreg:$0x2] =	wrdreg s15  }
0xb6: {  	[dreg:$0x3] =	wrdreg s4  }
0xb7: {  	[dreg:$0x4] =	wrdreg s24  }
0xb8: {  	[dreg:$0x5] =	wrdreg s16  }
0xb9: {  	[dreg:$0x6] =	wrdreg s17  }
0xba: {  	[dreg:$0x7] =	wrdreg $0x9  }
0xbb: {  	_ =	task.clear_ibuf [dreg:s10], $0x8FFFF;
	_ =	strace $0x90000046  }
0xbc: {  	s29 =	simm.s32 $0x9;
	_ =	strace $0x80000048  }
0xbd: {  	_ =	swait.ge [sflag:s29], $0x1  }
0xbe: {  	[sflag:s29] =	ssyncadd.s32 $0xFFFFFFFF  }
0xbf: {  	_ =	strace $0x90000048  }
0xc0: {  	_ =	sfence  }
0xc1: {  	s30 =	sld [smem:$0x0];
	_ =	sdelay $0x2  }
0xc2: {  	s31 =	sshll.u32 s1, $0xD;
	s1 =	sshrl.u32 s1, $0x2  }
0xc3: {  	s3 =	sand.u32 $0x4000, s31;
	s1 =	sadd.s32 s1, s30  }
0xc4: {  	s0 =	sor.u32 s3, s0;
	s1 =	sshll.u32 s1, $0x11  }
0xc5: {  	s0 =	sor.u32 s1, s0  }
0xc6: {  	s0 =	sadd.s32 $0x8F2B, s0  }
0xc7: {  	[sflag:s0] =	ssyncadd.remote.s32 $0x1  }
0xc8: {  	_ =	sfence.sel $0xFFFF  }
0xc9: {  	[dreg:$0x0] =	wrdreg $0xFFFFFFFF;
	(pc) =	sbr.abs _section_cstart, $3  }
0xca: {  	[dreg:$0x1] =	wrdreg $0xFFFFFFFF  }
0xcb: {  	_ =	task.clear_ibuf [dreg:s10], $0x2FFFF;
	_ =	strace $0x9FFFFFFF  }
0xcc: {  	(tm) =	ssettm $0x7FFFFFFF  }
0xcd: {  	_ =	shalt  }
tec
execute0_lowered:
.L_overlay_start_1:
0x0: {  	(tag) =	ssettag $0x1  }
0x1: {  	s0 =	rddreg [dreg:$0x1]  }
0x2: {  	s1 =	rddreg [dreg:$0x2]  }
0x3: {  	s2 =	rddreg [dreg:$0x3]  }
0x4: {  	s4 =	rddreg [dreg:$0x4];
	s3 =	srdreg.scid  }
0x5: {  	s5 =	simm.s32 $0x0;
	s7 =	stileid.u32;
	s17 =	simm.s32 $0x400  }
0x6: {  	s20 =	simm.s32 $0x2;
	s21 =	simm.s32 $0xE000;
	s22 =	simm.s32 $0xA000  }
0x7: {  	s23 =	simm.s32 $0x3;
	s24 =	simm.s32 $0x5;
	s3 =	sand.u32 $0x1, s3  }
0x8: {  	[smem:$0x7FF] =	sst s5;
	s7 =	sshll.u32 s7, $0x1;
	s1 =	sadd.s32 $0x200, s1  }
0x9: {  	v63 =	vlaneseq.u32;
	s10 =	sadd.s32 $0x40, s0;
	s6 =	ssub.s32 $0x2, s3;
	s3 =	sor.u32 s3, s7  }
0xa: {  	v52 =	vadd.s32 $0xFFF, v63;
	_ =	strace $0x80000047;
	s8 =	sshrl.u32 s6, $0x1;
	s7 =	sshll.u32 s3, $0x10  }
0xb: {  	v9 =	vadd.s32 $0x1FFE, v63;
	[dreg:$0x6] =	wrdreg s1;
	[tilespmem:$0x1FFD0] =	vst v52;
	s29 =	ssub.s32 s6, s8;
	s30 =	sadd.s32 s0, s7  }
0xc: {  	v53 =	vadd.s32 $0x2FFD, v63;
	[tilespmem:$0x1FFE0] =	vst v9;
	s8 =	sshll.u32 s3, $0x7;
	s0 =	sadd.s32 $0x1000, s0;
	[dreg:$0x7] =	wrdreg s30  }
0xd: {  	s25 =	simm.s32 $0x16000;
	[tilespmem:$0x1FFF0] =	vst v53;
	[dreg:$0x8] =	wrdreg s0;
	s31 =	smax.u32 s29, $0x1;
	v0 =	vmov s8  }
0xe: {  	vm0 =	vcmask $0x2F20;
	s26 =	simm.s32 $0x12000;
	s1 =	simm.s32 $0x0;
	[dreg:$0x9] =	wrdreg s31;
	[tilespmem:$0x1FFC0] =	vst v0  }
.LBB2_1:
0xf: {  	[dreg:$0xa] =	wrdreg s1  }
0x10: {  	s0 =	rddreg [dreg:$0x6];
	s16 =	simm.s32 $0x1000  }
0x11: {  	[tilespmem:s16], [sflag:$0x1] =	stream.linear.gather [hbm4b:s0+s5], $0x1000, $0x38;
	[tilespmem:$0x1A000] =	vst v63  }
0x12: {  	s18 =	rddreg [dreg:$0x0];
	s19 =	simm.s32 $0x6  }
0x13: {  	[tilespmem:s5], [sflag:$0x6] =	stream.linear.gather [hbm4b:s18+s5], $0x1000, $0x38;
	[tilespmem:$0x1A000] =	vst v63  }
0x14: {  	_ =	swait.ge [sflag:s19], $0x1000  }
0x15: {  	[sflag:s19] =	ssyncset.done $0x0  }
0x16: {  	s28 =	simm.s32 $0x1;
	[sflag:s19] =	ssyncadd.s32 $0xFFFFF000  }
0x17: {  	_ =	swait.ge [sflag:s28], $0x1000  }
0x18: {  	s31 =	simm.s32 $0x200;
	s3 =	simm.s32 $0x2000;
	[sflag:s28] =	ssyncset.done $0x0  }
0x19: {  	s30 =	simm.s32 $0x0;
	s29 =	rddreg [dreg:$0x7];
	[sflag:s28] =	ssyncadd.s32 $0xFFFFF000  }
0x1a: {  	[tilespmem:s3], [sflag:$0x2] =	stream.strided.gather [hbm4b:s29+s31], $0x4000, s17, s31, $0x38;
	[tilespmem:$0x1A000] =	vst v63  }
.LBB2_2:
0x1b: {  	v0 =	vld [tilespmem:$0x1FFC0];
	_ =	sdelay $0x5  }
0x1c: {  	s1 =	sshll.u32 s30, $0xC  }
0x1d: {  	s0 =	sshll.u32 s30, $0x3;
	s3 =	sadd.s32 s7, s1  }
0x1e: {  	s6 =	simm.s32 $0x200;
	s9 =	simm.s32 $0x6000;
	s1 =	sadd.s32 s3, s10;
	v2 =	vld.idx.msk [tilespmem:v0+s0+$0x1000 ss:$0x1], $0xffff  }
0x1f: {  	v0 =	vld.idx.msk [tilespmem:v0+s0+$0x0 ss:$0x1], $0xffff;
	[tilespmem:s9], [sflag:$0x3] =	stream.strided.gather [hbm4b:s1+s6], $0x4000, s17, s6, $0x38  }
0x20: {  	_ =	swait.ge [sflag:s20], $0x4000  }
0x21: {  	p0 =	seq.s32 s30, $0x0;
	[sflag:s20] =	ssyncset.done $0x0  }
0x22: {  	s1 =	simm.s32 @!p0 $0x4;
	[sflag:s20] =	ssyncadd.s32 $0xFFFFC000  }
0x23: {  	_ =	swait.ge @!p0 [sflag:s1], $0x3FF8  }
0x24: {  	[sflag:s1] =	ssyncset.done @!p0 $0x0  }
0x25: {  	[sflag:s1] =	ssyncadd.s32 @!p0 $0xFFFFC008  }
0x26: {  	_ =	swait.ge @!p0 [sflag:s1], $0x3FF8  }
0x27: {  	[sflag:s1] =	ssyncset.done @!p0 $0x0  }
0x28: {  	s11 =	simm.s32 $0x0;
	[sflag:s1] =	ssyncadd.s32 @!p0 $0xFFFFC008  }
0x29: {  	s13 =	simm.s32 $0x30;
	s15 =	simm.s32 $0x0;
	s6 =	simm.s32 $0x0;
	v31 =	vld [tilespmem:s11+$0x1020];
	[tilespmem:$0x1FF20] =	vst v2  }
0x2a: {  	s28 =	simm.s32 $0x20;
	s0 =	sadd.s32 s8, s0;
	s1 =	sand.u32 $0x3E00, s6;
	v28 =	vld [tilespmem:s11+$0x10]  }
0x2b: {  	v4 =	vimm.s32 $0x0;
	v29 =	vor.u32 s15, v63;
	s9 =	sand.u32 $0x70, s13;
	s12 =	sor.u32 $0x1, s0;
	s18 =	sadd.s32 $0x2000, s1;
	v30 =	vld [tilespmem:s11+$0x1030];
	[tilespmem:$0x1FF30] =	vst v0  }
0x2c: {  	v32 =	vor.u32 s28, v63;
	v26 =	vor.u32 s13, v63;
	s14 =	sor.u32 $0x2, s0;
	v16 =	vmov s0;
	s6 =	simm.s32 $0x10;
	s9 =	sor.u32 s9, s18;
	v13 =	vld [tilespmem:s11+$0x1010]  }
0x2d: {  	v18 =	vmov s12;
	v19 =	vmov s14;
	s14 =	sor.u32 $0x3, s0;
	vm3 =	vgt.u32 v29, v16;
	s16 =	sand.u32 $0x50, s6;
	v22 =	vld [tilespmem:s9+$0x0]  }
0x2e: {  	s19 =	sand.u32 $0x40, s15;
	vm6 =	vgt.u32 v26, v16;
	vm5 =	vne.s32 v26, v16;
	v21 =	vmov s14;
	s31 =	sor.u32 s16, s18;
	v58 =	vld [tilespmem:s11+$0x1000]  }
0x2f: {  	s29 =	sand.u32 $0x60, s28;
	vm2 =	vgt.u32 v29, v19;
	v23 =	vsel vm3, $0xFFFFFFFF, v4;
	vm3 =	vgt.u32 v29, v18;
	s1 =	sor.u32 s19, s18;
	v24 =	vld [tilespmem:s31+$0x0]  }
0x30: {  	v37 =	vadd.s32 v23, v29;
	v23 =	vsel vm3, $0xFFFFFFFF, v4;
	v3 =	vbroadcast v2, $0x0;
	s12 =	sor.u32 s29, s18;
	v25 =	vld [tilespmem:s1+$0x0]  }
0x31: {  	vm4 =	vgt.u32 v32, v18;
	vm8 =	vne.s32 v32, v19;
	v23 =	vadd.s32 s15, v23;
	v38 =	vld [tilespmem:s12+$0x0]  }
0x32: {  	v33 =	vadd.s32 v52, v23;
	v23 =	vadd.f32 v31, v3;
	v34 =	vadd.f32 v30, v3  }
0x33: {  	vm1 =	vgt.u32 v29, v21;
	v35 =	vadd.f32 v13, v3;
	v22 =	vadd.f32 v22, v22  }
0x34: {  	vm3 =	vgt.u32 v32, v16;
	v39 =	vadd.f32 v58, v3;
	v24 =	vadd.f32 v24, v24  }
0x35: {  	v61 =	vsel vm4, $0xFFFFFFFF, v4;
	v25 =	vadd.f32 v25, v25;
	v40 =	vsub.f32 v34, v22  }
0x36: {  	vm4 =	vgt.u32 v26, v18;
	v49 =	vadd.f32 v38, v38;
	v24 =	vsub.f32 v35, v24  }
0x37: {  	v22 =	vsel vm6, $0xFFFFFFFF, v4;
	v50 =	vmul.f32 $5.000000000e-01, v40;
	v41 =	vshra.s32 v40, $0x1  }
0x38: {  	v42 =	vshra.s32 v24, $0x1;
	v43 =	vmul.f32 $5.000000000e-01, v24;
	v41 =	vsub.s32 $0x5F3759DF, v41  }
0x39: {  	v44 =	vsub.f32 v23, v49;
	v51 =	vsub.s32 $0x5F3759DF, v42;
	v23 =	vmul.f32 v41, v50  }
0x3a: {  	v34 =	vor.u32 s6, v63;
	v54 =	vadd.s32 v22, v26;
	v55 =	vmul.f32 v51, v43  }
0x3b: {  	v22 =	vshra.s32 v44, $0x1;
	v56 =	vmul.f32 $5.000000000e-01, v44;
	v23 =	vmul.f32 v41, v23  }
0x3c: {  	v39 =	vsub.f32 v39, v25;
	v45 =	vsub.s32 $0x5F3759DF, v22;
	v35 =	vmul.f32 v51, v55  }
0x3d: {  	[tilespmem:$0x1FF40] =	vst v3;
	vm6 =	vgt.u32 v34, v16;
	v43 =	vmul.f32 v45, v56;
	v23 =	vsub.f32 $1.500000000e+00, v23  }
0x3e: {  	v17 =	vld [tilespmem:s11+$0x30];
	vm7 =	vne.s32 v34, v16;
	v25 =	vsel vm6, $0xFFFFFFFF, v4;
	v47 =	vsub.f32 $1.500000000e+00, v35  }
0x3f: {  	v25 =	vadd.s32 v25, v34;
	v43 =	vmul.f32 v45, v43;
	v23 =	vmul.f32 v41, v23  }
0x40: {  	v6 =	vbroadcast v0, $0x0;
	v36 =	vsel vm3, $0xFFFFFFFF, v4;
	v38 =	vmul.f32 v51, v47  }
0x41: {  	vm6 =	vne.s32 v32, v16;
	v43 =	vsub.f32 $1.500000000e+00, v43;
	v40 =	vmul.f32 v23, v40  }
0x42: {  	v1 =	vbroadcast v2, $0x1;
	v36 =	vadd.s32 v36, v32;
	v35 =	vld [tilespmem:s11+$0x20];
	v24 =	vmul.f32 v38, v24  }
0x43: {  	v5 =	vbroadcast v2, $0x2;
	v59 =	vsub.f32 v6, v17;
	v60 =	vmul.f32 v45, v43;
	[tilespmem:v54+s21+$0x0] =	vst.idx.msk vm5, v40  }
0x44: {  	v7 =	vbroadcast v0, $0x1;
	vm3 =	vgt.u32 v32, v19;
	v27 =	vsub.f32 v6, v28;
	[tilespmem:v25+s21+$0x0] =	vst.idx.msk vm7, v24  }
0x45: {  	v46 =	vshra.s32 v39, $0x1;
	v57 =	vmul.f32 $5.000000000e-01, v39;
	v24 =	vmul.f32 v60, v44;
	[tilespmem:v54+s22+$0x0] =	vst.idx.msk vm5, v59  }
0x46: {  	v46 =	vsub.s32 $0x5F3759DF, v46;
	v42 =	vsel vm4, $0xFFFFFFFF, v4;
	vm4 =	vgt.u32 v34, v19;
	[tilespmem:v25+s22+$0x0] =	vst.idx.msk vm7, v27  }
0x47: {  	v42 =	vadd.s32 s13, v42;
	v41 =	vmul.f32 v46, v57;
	v23 =	vld [tilespmem:s11+$0x0];
	v10 =	vsub.f32 v6, v35;
	[tilespmem:v36+s21+$0x0] =	vst.idx.msk vm6, v24  }
0x48: {  	v56 =	vadd.f32 v13, v1;
	v42 =	vadd.s32 v52, v42;
	v55 =	vadd.f32 v31, v1;
	v62 =	vld [tilespmem:s9+$0x80];
	[tilespmem:$0x1FF50] =	vst v6  }
0x49: {  	v8 =	vbroadcast v0, $0x2;
	v43 =	vadd.f32 v58, v1;
	v41 =	vmul.f32 v46, v41;
	[tilespmem:v36+s22+$0x0] =	vst.idx.msk vm6, v10  }
0x4a: {  	v51 =	vadd.f32 v30, v1;
	v40 =	vadd.s32 s28, v61;
	v25 =	vsel vm4, $0xFFFFFFFF, v4;
	v44 =	vld [tilespmem:s12+$0x80]  }
0x4b: {  	v41 =	vsub.f32 $1.500000000e+00, v41;
	vm4 =	vne.s32 v29, v16;
	v24 =	vadd.s32 s6, v25  }
0x4c: {  	vm5 =	vne.s32 v32, v18;
	v27 =	vadd.s32 v9, v24;
	v24 =	vsel vm3, $0xFFFFFFFF, v4  }
0x4d: {  	v41 =	vmul.f32 v46, v41;
	v3 =	vld [tilespmem:s31+$0x80];
	v46 =	vadd.s32 s28, v24;
	v24 =	vadd.f32 v62, v62  }
0x4e: {  	v40 =	vadd.s32 v52, v40;
	vm7 =	vne.s32 v29, v19;
	v11 =	vsub.f32 v6, v23  }
0x4f: {  	v25 =	vsel vm2, $0xFFFFFFFF, v4;
	v24 =	vsub.f32 v51, v24;
	v57 =	vadd.f32 v44, v44  }
0x50: {  	v54 =	vmul.f32 v41, v39;
	v39 =	vsel vm1, $0xFFFFFFFF, v4;
	vm1 =	vgt.u32 v34, v18  }
0x51: {  	[tilespmem:$0x1FF60] =	vst v1;
	v59 =	vshra.s32 v24, $0x1;
	v49 =	vmul.f32 $5.000000000e-01, v24;
	v38 =	vsub.f32 v55, v57  }
0x52: {  	v1 =	vimm.s32 $0x0;
	[tilespmem:v37+s21+$0x0] =	vst.idx.msk vm4, v54;
	v3 =	vadd.f32 v3, v3;
	v44 =	vsub.s32 $0x5F3759DF, v59  }
0x53: {  	[tilespmem:v37+s22+$0x0] =	vst.idx.msk vm4, v11;
	v6 =	vmul.f32 v44, v49;
	v10 =	vshra.s32 v38, $0x1;
	v11 =	vmul.f32 $5.000000000e-01, v38  }
0x54: {  	v50 =	vsel vm1, $0xFFFFFFFF, v1;
	v62 =	vld [tilespmem:s1+$0x80];
	v60 =	vsub.f32 v56, v3;
	v49 =	vsub.s32 $0x5F3759DF, v10  }
0x55: {  	v61 =	vadd.s32 s6, v50;
	v41 =	vmul.f32 v44, v6;
	v50 =	vmul.f32 v49, v11  }
0x56: {  	vm2 =	vne.s32 v26, v18;
	v3 =	vshra.s32 v60, $0x1;
	v51 =	vmul.f32 $5.000000000e-01, v60  }
0x57: {  	v3 =	vsub.s32 $0x5F3759DF, v3;
	v41 =	vsub.f32 $1.500000000e+00, v41;
	v50 =	vmul.f32 v49, v50  }
0x58: {  	vm3 =	vne.s32 v29, v18;
	v36 =	vadd.s32 s15, v25;
	v51 =	vmul.f32 v3, v51  }
0x59: {  	v47 =	vadd.f32 v62, v62;
	v41 =	vmul.f32 v44, v41;
	v50 =	vsub.f32 $1.500000000e+00, v50  }
0x5a: {  	v25 =	vsub.f32 v8, v23;
	vm6 =	vne.s32 v26, v19;
	v55 =	vmul.f32 v3, v51  }
0x5b: {  	v43 =	vsub.f32 v43, v47;
	v24 =	vmul.f32 v41, v24;
	v49 =	vmul.f32 v49, v50  }
0x5c: {  	v46 =	vadd.s32 v9, v46;
	v54 =	vsub.f32 v7, v17;
	v47 =	vsub.f32 $1.500000000e+00, v55  }
0x5d: {  	v56 =	vshra.s32 v43, $0x1;
	v57 =	vmul.f32 $5.000000000e-01, v43;
	[tilespmem:v42+s21+$0x0] =	vst.idx.msk vm2, v24;
	v38 =	vmul.f32 v49, v38  }
0x5e: {  	vm1 =	vne.s32 v34, v18;
	v41 =	vsub.s32 $0x5F3759DF, v56;
	v59 =	vmul.f32 v3, v47;
	[tilespmem:v42+s22+$0x0] =	vst.idx.msk vm2, v54  }
0x5f: {  	v39 =	vadd.s32 s15, v39;
	v3 =	vsub.f32 v7, v35;
	v24 =	vmul.f32 v41, v57;
	[tilespmem:v40+s21+$0x0] =	vst.idx.msk vm5, v38  }
0x60: {  	v20 =	vadd.s32 v53, v39;
	v45 =	vadd.s32 v52, v61;
	v61 =	vsub.f32 v7, v28;
	v44 =	vld [tilespmem:s9+$0x100];
	[tilespmem:$0x1FF70] =	vst v7  }
0x61: {  	v2 =	vbroadcast v2, $0x3;
	v62 =	vadd.f32 v30, v5;
	v24 =	vmul.f32 v41, v24;
	[tilespmem:v40+s22+$0x0] =	vst.idx.msk vm5, v3  }
0x62: {  	vm4 =	vgt.u32 v34, v21;
	v11 =	vadd.f32 v13, v5;
	v47 =	vsub.f32 v7, v23;
	v40 =	vld [tilespmem:s12+$0x100]  }
0x63: {  	v37 =	vmul.f32 v59, v60;
	vm2 =	vgt.u32 v26, v19;
	v24 =	vsub.f32 $1.500000000e+00, v24  }
0x64: {  	v57 =	vadd.f32 v31, v5;
	v60 =	vsel vm2, $0xFFFFFFFF, v1;
	vm2 =	vgt.u32 v32, v21  }
0x65: {  	v0 =	vbroadcast v0, $0x3;
	[tilespmem:v45+s21+$0x0] =	vst.idx.msk vm1, v37;
	v24 =	vmul.f32 v41, v24;
	v7 =	vadd.f32 v44, v44  }
0x66: {  	v38 =	vadd.s32 s13, v60;
	v6 =	vsel vm2, $0xFFFFFFFF, v1;
	vm2 =	vne.s32 v29, v21;
	[tilespmem:v45+s22+$0x0] =	vst.idx.msk vm1, v61  }
0x67: {  	v10 =	vld [tilespmem:s31+$0x100];
	v43 =	vmul.f32 v24, v43;
	v44 =	vsub.f32 v62, v7;
	v40 =	vadd.f32 v40, v40  }
0x68: {  	v29 =	vsub.f32 v8, v28;
	v42 =	vadd.s32 s28, v6;
	v3 =	vadd.s32 v9, v38  }
0x69: {  	[tilespmem:v33+s21+$0x0] =	vst.idx.msk vm3, v43;
	v59 =	vmul.f32 $5.000000000e-01, v44;
	v49 =	vshra.s32 v44, $0x1;
	v43 =	vsub.f32 v57, v40  }
0x6a: {  	vm5 =	vne.s32 v34, v19;
	v37 =	vadd.f32 v31, v2;
	v60 =	vsub.s32 $0x5F3759DF, v49  }
0x6b: {  	v61 =	vmul.f32 v60, v59;
	v62 =	vshra.s32 v43, $0x1;
	v40 =	vmul.f32 $5.000000000e-01, v43  }
0x6c: {  	v38 =	vadd.f32 v30, v2;
	[tilespmem:v33+s22+$0x0] =	vst.idx.msk vm3, v47;
	v41 =	vadd.f32 v10, v10;
	v33 =	vsub.s32 $0x5F3759DF, v62  }
0x6d: {  	vm1 =	vgt.u32 v26, v21;
	v4 =	vld [tilespmem:s1+$0x100];
	v31 =	vmul.f32 v60, v61;
	v40 =	vmul.f32 v33, v40  }
0x6e: {  	v30 =	vadd.s32 v53, v42;
	v56 =	vsel vm1, $0xFFFFFFFF, v1;
	v45 =	vsub.f32 v11, v41  }
0x6f: {  	vm1 =	vne.s32 v26, v21;
	v31 =	vsub.f32 $1.500000000e+00, v31;
	v40 =	vmul.f32 v33, v40  }
0x70: {  	v26 =	vsub.f32 v0, v35;
	v6 =	vshra.s32 v45, $0x1;
	v7 =	vmul.f32 $5.000000000e-01, v45  }
0x71: {  	v47 =	vsub.s32 $0x5F3759DF, v6;
	v10 =	vmul.f32 v60, v31;
	v11 =	vsub.f32 $1.500000000e+00, v40  }
0x72: {  	[tilespmem:$0x1FF80] =	vst v5;
	v5 =	vadd.f32 v58, v5;
	v41 =	vadd.f32 v4, v4;
	v49 =	vmul.f32 v47, v7  }
0x73: {  	v24 =	vadd.s32 s13, v56;
	[tilespmem:$0x1FF90] =	vst v2;
	v44 =	vmul.f32 v10, v44;
	v55 =	vmul.f32 v33, v11  }
0x74: {  	v56 =	vsub.f32 v8, v17;
	[tilespmem:$0x1FFA0] =	vst v0;
	v49 =	vmul.f32 v47, v49;
	v40 =	vsub.f32 v5, v41  }
0x75: {  	v61 =	vsub.f32 v8, v35;
	[tilespmem:v3+s21+$0x0] =	vst.idx.msk vm6, v44;
	v39 =	vmul.f32 v55, v43  }
0x76: {  	v42 =	vsub.f32 $1.500000000e+00, v49;
	v57 =	vshra.s32 v40, $0x1;
	v59 =	vmul.f32 $5.000000000e-01, v40;
	[tilespmem:v3+s22+$0x0] =	vst.idx.msk vm6, v56  }
0x77: {  	v54 =	vadd.s32 v53, v24;
	vm3 =	vne.s32 v32, v21;
	v32 =	vsub.s32 $0x5F3759DF, v57;
	[tilespmem:v46+s21+$0x0] =	vst.idx.msk vm8, v39  }
0x78: {  	v62 =	vsel vm4, $0xFFFFFFFF, v1;
	v60 =	vmul.f32 v47, v42;
	v44 =	vmul.f32 v32, v59;
	[tilespmem:v46+s22+$0x0] =	vst.idx.msk vm8, v61  }
0x79: {  	vm4 =	vne.s32 v34, v21;
	v41 =	vadd.s32 v9, v36;
	v33 =	vsub.f32 v0, v28;
	v35 =	vld [tilespmem:s9+$0x180];
	[tilespmem:$0x1FFB0] =	vst v8  }
0x7a: {  	s13 =	simm.s32 $0x100;
	v42 =	vadd.s32 s6, v62;
	s6 =	simm.s32 $0x0;
	s9 =	simm.s32 $0x70;
	v43 =	vmul.f32 v60, v45;
	v44 =	vmul.f32 v32, v44;
	v34 =	vld [tilespmem:s12+$0x180]  }
.LBB2_3:
0x7b: {  	[tilespmem:$0x1FF10] =	vst v17;
	v15 =	vld [tilespmem:$0x1FFA0]  }
0x7c: {  	s18 =	sadd.s32 $0xFFFFFFD0, s9;
	v22 =	vld [tilespmem:$0x1FF90];
	[tilespmem:v27+s21+$0x0] =	vst.idx.msk vm5, v43  }
0x7d: {  	v42 =	vadd.s32 v53, v42;
	v17 =	vimm.s32 $0x0;
	v28 =	vor.u32 s18, v63;
	[tilespmem:v27+s22+$0x0] =	vst.idx.msk vm5, v29  }
0x7e: {  	s11 =	sand.u32 $0x3E00, s13;
	vm8 =	vgt.u32 v28, v16;
	vm6 =	vgt.u32 v28, v19;
	vm5 =	vgt.u32 v28, v21  }
0x7f: {  	s19 =	sand.u32 $0x70, s9;
	s11 =	sadd.s32 $0x2000, s11;
	s14 =	sand.u32 $0x40, s18;
	v29 =	vsel vm8, $0xFFFFFFFF, v1;
	v27 =	vadd.f32 v35, v35;
	v59 =	vadd.f32 v34, v34  }
0x80: {  	v24 =	vld [tilespmem:$0x1FF50];
	s16 =	sor.u32 s14, s11;
	s14 =	sor.u32 s19, s11;
	vm8 =	vgt.u32 v28, v18;
	v0 =	vsub.f32 v15, v23;
	v23 =	vsub.f32 $1.500000000e+00, v44  }
0x81: {  	s29 =	sshra.s32 s13, $0x2;
	v61 =	vld [tilespmem:s14+$0x0];
	v49 =	vadd.s32 v29, v28;
	v57 =	vadd.f32 v13, v22;
	v7 =	vadd.f32 v58, v22  }
0x82: {  	s15 =	sadd.s32 $0xFFFFFFF0, s9;
	v29 =	vld [tilespmem:s29+$0x10];
	v60 =	vsel vm8, $0xFFFFFFFF, v1;
	v50 =	vsub.f32 v37, v59;
	v38 =	vsub.f32 v38, v27  }
0x83: {  	v36 =	vld [tilespmem:s31+$0x180];
	v27 =	vadd.s32 s18, v60;
	v23 =	vmul.f32 v32, v23;
	v32 =	vor.u32 s15, v63  }
0x84: {  	v31 =	vld [tilespmem:s29+$0x1010];
	v39 =	vadd.s32 v52, v27;
	vm9 =	vgt.u32 v32, v16;
	vm8 =	vgt.u32 v32, v18  }
0x85: {  	v35 =	vld [tilespmem:s29+$0x1020];
	v47 =	vmul.f32 $5.000000000e-01, v50;
	v8 =	vshra.s32 v38, $0x1;
	v53 =	vmul.f32 $5.000000000e-01, v38  }
0x86: {  	[tilespmem:$0x1FEF0] =	vst v0;
	v0 =	vld [tilespmem:$0x1FF40];
	v60 =	vadd.f32 v61, v61;
	vm11 =	vne.s32 v32, v16;
	v23 =	vmul.f32 v23, v40  }
0x87: {  	s28 =	sadd.s32 $0xFFFFFFE0, s9;
	v34 =	vld [tilespmem:s29+$0x1030];
	v4 =	vsel vm8, $0xFFFFFFFF, v1;
	v55 =	vsub.f32 v24, v29;
	v43 =	vsel vm9, $0xFFFFFFFF, v1  }
0x88: {  	s12 =	sand.u32 $0x50, s28;
	v1 =	vld [tilespmem:$0x1FF60];
	v40 =	vor.u32 s9, v63;
	v2 =	vadd.s32 s15, v4;
	[tilespmem:v41+s21+$0x0] =	vst.idx.msk vm7, v23;
	v23 =	vadd.f32 v36, v36  }
0x89: {  	s31 =	sor.u32 s12, s11;
	vm15 =	vgt.u32 v40, v16;
	vm8 =	vne.s32 v40, v16;
	vm12 =	vgt.u32 v40, v18;
	v62 =	vld [tilespmem:s29+$0x1000]  }
0x8a: {  	v12 =	vadd.s32 v43, v32;
	v36 =	vor.u32 s28, v63;
	[tilespmem:v41+s22+$0x0] =	vst.idx.msk vm7, v25;
	v25 =	vld [tilespmem:s31+$0x0];
	v51 =	vsub.f32 v57, v23  }
0x8b: {  	v11 =	vsel vm15, $0xFFFFFFFF, v17;
	vm15 =	vne.s32 v28, v16;
	v27 =	vadd.f32 v35, v0;
	v41 =	vld [tilespmem:s1+$0x180];
	s1 =	smov.u32 s16  }
0x8c: {  	s19 =	sand.u32 $0x60, s15;
	v56 =	vadd.f32 v34, v0;
	v5 =	vld [tilespmem:s1+$0x0];
	v45 =	vshra.s32 v51, $0x1;
	v46 =	vmul.f32 $5.000000000e-01, v51  }
0x8d: {  	s12 =	sor.u32 s19, s11;
	v9 =	vadd.f32 v31, v0;
	v23 =	vshra.s32 v50, $0x1;
	v52 =	vsub.s32 $0x5F3759DF, v45  }
0x8e: {  	v57 =	vsub.s32 $0x5F3759DF, v23;
	v44 =	vadd.f32 v62, v1;
	v23 =	vmul.f32 v52, v46;
	v13 =	vmovc v62;
	v62 =	vld [tilespmem:s12+$0x0]  }
0x8f: {  	v58 =	vadd.s32 v11, v40;
	v48 =	vsub.f32 v56, v60;
	v25 =	vadd.f32 v25, v25  }
0x90: {  	v6 =	vmul.f32 v57, v47;
	v59 =	vmul.f32 v52, v23;
	v23 =	vadd.f32 v13, v0  }
0x91: {  	vm10 =	vgt.u32 v36, v16;
	v10 =	vadd.f32 v5, v5;
	v25 =	vsub.f32 v9, v25  }
0x92: {  	v61 =	vmul.f32 v57, v6;
	v6 =	vmul.f32 $5.000000000e-01, v48;
	v41 =	vadd.f32 v41, v41  }
0x93: {  	v60 =	vsub.f32 v23, v10;
	v10 =	vshra.s32 v25, $0x1;
	v9 =	vadd.f32 v62, v62  }
0x94: {  	v37 =	vmovc v54;
	v54 =	vsub.f32 v7, v41;
	v11 =	vmul.f32 $5.000000000e-01, v25;
	v3 =	vsub.s32 $0x5F3759DF, v10  }
0x95: {  	v14 =	vshra.s32 v60, $0x1;
	v0 =	vsub.f32 v27, v9;
	v27 =	vshra.s32 v48, $0x1  }
0x96: {  	[tilespmem:$0x1FF00] =	vst v2;
	v2 =	vmul.f32 $5.000000000e-01, v60;
	v41 =	vmul.f32 v3, v11;
	v27 =	vsub.s32 $0x5F3759DF, v27  }
0x97: {  	vm14 =	vne.s32 v36, v16;
	v14 =	vsub.s32 $0x5F3759DF, v14;
	v6 =	vmul.f32 v27, v6  }
0x98: {  	v45 =	vsub.s32 $0x5F3759DF, v8;
	v2 =	vmul.f32 v14, v2;
	v41 =	vmul.f32 v3, v41  }
0x99: {  	v4 =	vshra.s32 v0, $0x1;
	v8 =	vmul.f32 $5.000000000e-01, v0;
	v6 =	vmul.f32 v27, v6  }
0x9a: {  	v23 =	vsel vm10, $0xFFFFFFFF, v17;
	v4 =	vsub.s32 $0x5F3759DF, v4;
	v9 =	vsub.f32 $1.500000000e+00, v41  }
0x9b: {  	v2 =	vmul.f32 v14, v2;
	v8 =	vmul.f32 v4, v8;
	v6 =	vsub.f32 $1.500000000e+00, v6  }
0x9c: {  	vm7 =	vgt.u32 v32, v19;
	v46 =	vld [tilespmem:s29+$0x30];
	v62 =	vadd.s32 v23, v36;
	v3 =	vmul.f32 v3, v9  }
0x9d: {  	v23 =	vld [tilespmem:s29+$0x0];
	v2 =	vsub.f32 $1.500000000e+00, v2;
	v8 =	vmul.f32 v4, v8;
	v6 =	vmul.f32 v27, v6  }
0x9e: {  	vm13 =	vgt.u32 v36, v19;
	v56 =	vsel vm12, $0xFFFFFFFF, v17;
	v41 =	vld [tilespmem:s29+$0x20];
	v3 =	vmul.f32 v3, v25  }
0x9f: {  	v2 =	vmul.f32 v14, v2;
	v8 =	vsub.f32 $1.500000000e+00, v8;
	v6 =	vmul.f32 v6, v48;
	v48 =	vld [tilespmem:$0x1FFE0]  }
0xa0: {  	v47 =	vsel vm7, $0xFFFFFFFF, v17;
	vm7 =	vne.s32 v28, v19;
	v5 =	vsel vm13, $0xFFFFFFFF, v17  }
0xa1: {  	v61 =	vsub.f32 $1.500000000e+00, v61;
	[tilespmem:v62+s21+$0x0] =	vst.idx.msk vm14, v3;
	v2 =	vmul.f32 v2, v60;
	v4 =	vmul.f32 v4, v8  }
0xa2: {  	v5 =	vadd.s32 s28, v5;
	v63 =	vmul.f32 $5.000000000e-01, v54;
	v10 =	vsub.f32 v24, v46;
	[tilespmem:v62+s22+$0x0] =	vst.idx.msk vm14, v55  }
0xa3: {  	v11 =	vshra.s32 v54, $0x1;
	v7 =	vsub.f32 v24, v23;
	[tilespmem:v49+s21+$0x0] =	vst.idx.msk vm15, v2;
	v0 =	vmul.f32 v4, v0  }
0xa4: {  	v25 =	vsel vm6, $0xFFFFFFFF, v17;
	[tilespmem:v58+s21+$0x0] =	vst.idx.msk vm8, v6;
	v27 =	vadd.s32 v48, v5;
	v5 =	vsub.f32 v24, v41  }
0xa5: {  	v9 =	vadd.f32 v34, v1;
	vm6 =	vne.s32 v40, v18;
	v43 =	vadd.s32 s18, v25;
	[tilespmem:v12+s21+$0x0] =	vst.idx.msk vm11, v0  }
0xa6: {  	v14 =	vld [tilespmem:s31+$0x80];
	v6 =	vmul.f32 v57, v61;
	v4 =	vsub.s32 $0x5F3759DF, v11;
	v57 =	vsub.f32 $1.500000000e+00, v59;
	[tilespmem:v12+s22+$0x0] =	vst.idx.msk vm11, v5  }
0xa7: {  	v59 =	vsel vm5, $0xFFFFFFFF, v17;
	vm5 =	vgt.u32 v36, v18;
	v61 =	vadd.s32 s9, v56;
	[tilespmem:v58+s22+$0x0] =	vst.idx.msk vm8, v10;
	v2 =	vld [tilespmem:s12+$0x80]  }
0xa8: {  	[tilespmem:v49+s22+$0x0] =	vst.idx.msk vm15, v7;
	v55 =	vmul.f32 v4, v63;
	v49 =	vadd.s32 s18, v59;
	v3 =	vld [tilespmem:s14+$0x80];
	v0 =	vsel vm5, $0xFFFFFFFF, v17  }
0xa9: {  	v6 =	vmul.f32 v6, v50;
	v10 =	vmul.f32 v52, v57;
	v52 =	vld [tilespmem:$0x1FFD0];
	vm5 =	vne.s32 v36, v18  }
0xaa: {  	v60 =	vmul.f32 v4, v55;
	v0 =	vadd.s32 s28, v0;
	v55 =	vadd.f32 v31, v1  }
0xab: {  	v17 =	vld [tilespmem:$0x1FF70];
	v62 =	vmul.f32 v10, v51;
	v51 =	vadd.f32 v35, v1;
	v56 =	vadd.f32 v14, v14  }
0xac: {  	v10 =	vmul.f32 v45, v53;
	v5 =	vsub.f32 $1.500000000e+00, v60;
	[tilespmem:v30+s21+$0x0] =	vst.idx.msk vm3, v6;
	v2 =	vadd.f32 v2, v2  }
0xad: {  	v1 =	vimm.s32 $0x0;
	[tilespmem:v42+s21+$0x0] =	vst.idx.msk vm4, v62;
	v6 =	vsub.f32 v55, v56;
	v3 =	vadd.f32 v3, v3  }
0xae: {  	v10 =	vmul.f32 v45, v10;
	v0 =	vadd.s32 v52, v0;
	v2 =	vsub.f32 v51, v2  }
0xaf: {  	v24 =	vld [tilespmem:$0x1FFB0];
	v8 =	vadd.s32 v52, v61;
	v4 =	vmul.f32 v4, v5;
	v3 =	vsub.f32 v9, v3  }
0xb0: {  	v12 =	vld [tilespmem:s1+$0x80];
	[tilespmem:v42+s22+$0x0] =	vst.idx.msk vm4, v33;
	vm4 =	vne.s32 v28, v18;
	v33 =	vsub.f32 v17, v23;
	v14 =	vshra.s32 v2, $0x1  }
0xb1: {  	v57 =	vshra.s32 v3, $0x1;
	v59 =	vmul.f32 $5.000000000e-01, v3;
	v62 =	vsub.s32 $0x5F3759DF, v14;
	v14 =	vld [tilespmem:$0x1FEF0]  }
0xb2: {  	[tilespmem:v30+s22+$0x0] =	vst.idx.msk vm3, v26;
	vm3 =	vgt.u32 v40, v19;
	v60 =	vmul.f32 $5.000000000e-01, v6;
	v5 =	vsub.s32 $0x5F3759DF, v57  }
0xb3: {  	v4 =	vmul.f32 v4, v54;
	v9 =	vshra.s32 v6, $0x1;
	v7 =	vmul.f32 v5, v59  }
0xb4: {  	v25 =	vsub.f32 v24, v23;
	v61 =	vsub.s32 $0x5F3759DF, v9;
	v30 =	vmul.f32 $5.000000000e-01, v2  }
0xb5: {  	v10 =	vsub.f32 $1.500000000e+00, v10;
	[tilespmem:v20+s21+$0x0] =	vst.idx.msk vm2, v4;
	v11 =	vmul.f32 v61, v60;
	v7 =	vmul.f32 v5, v7  }
0xb6: {  	v56 =	vsel vm3, $0xFFFFFFFF, v1;
	v12 =	vadd.f32 v12, v12;
	[tilespmem:v20+s22+$0x0] =	vst.idx.msk vm2, v14;
	v14 =	vmul.f32 v62, v30;
	v20 =	vld [tilespmem:$0x1FF00]  }
0xb7: {  	vm3 =	vne.s32 v32, v21;
	v11 =	vmul.f32 v61, v11;
	v7 =	vsub.f32 $1.500000000e+00, v7  }
0xb8: {  	v55 =	vmul.f32 v45, v10;
	v12 =	vsub.f32 v44, v12;
	v14 =	vmul.f32 v62, v14  }
0xb9: {  	v11 =	vsub.f32 $1.500000000e+00, v11;
	v5 =	vmul.f32 v5, v7;
	vm2 =	vgt.u32 v36, v21  }
0xba: {  	v58 =	vmovc v13;
	v26 =	vsel vm2, $0xFFFFFFFF, v1;
	vm2 =	vne.s32 v32, v18;
	v42 =	vsub.f32 $1.500000000e+00, v14  }
0xbb: {  	v13 =	vmovc v31;
	v4 =	vmul.f32 v61, v11;
	v3 =	vmul.f32 v5, v3;
	v31 =	vadd.s32 v52, v20  }
0xbc: {  	v53 =	vld [tilespmem:$0x1FFF0];
	v51 =	vsub.f32 v17, v41;
	v30 =	vsub.f32 v17, v46;
	v7 =	vmul.f32 v62, v42  }
0xbd: {  	v44 =	vmul.f32 $5.000000000e-01, v12;
	v11 =	vld [tilespmem:$0x1FF80];
	v4 =	vmul.f32 v4, v6;
	[tilespmem:v8+s21+$0x0] =	vst.idx.msk vm6, v3;
	v14 =	vshra.s32 v12, $0x1  }
0xbe: {  	v5 =	vadd.s32 s9, v56;
	[tilespmem:v8+s22+$0x0] =	vst.idx.msk vm6, v30;
	v50 =	vsub.s32 $0x5F3759DF, v14;
	v2 =	vmul.f32 v7, v2  }
0xbf: {  	[tilespmem:v0+s21+$0x0] =	vst.idx.msk vm5, v4;
	v4 =	vadd.s32 v48, v5;
	v54 =	vld [tilespmem:s14+$0x100];
	v3 =	vmul.f32 v50, v44  }
0xc0: {  	vm6 =	vne.s32 v40, v19;
	v8 =	vmul.f32 v55, v38;
	[tilespmem:v31+s21+$0x0] =	vst.idx.msk vm2, v2  }
0xc1: {  	v60 =	vld [tilespmem:$0x1FF10];
	v14 =	vsub.f32 v17, v29;
	v3 =	vmul.f32 v50, v3;
	[tilespmem:v31+s22+$0x0] =	vst.idx.msk vm2, v51  }
0xc2: {  	v20 =	vadd.s32 v53, v49;
	v62 =	vadd.f32 v13, v11;
	v44 =	vadd.f32 v35, v11;
	v57 =	vld [tilespmem:s12+$0x100]  }
0xc3: {  	v42 =	vadd.s32 s28, v26;
	v26 =	vsub.f32 v15, v41;
	v3 =	vsub.f32 $1.500000000e+00, v3  }
0xc4: {  	v47 =	vadd.s32 s15, v47;
	[tilespmem:v0+s22+$0x0] =	vst.idx.msk vm5, v14;
	vm5 =	vne.s32 v36, v19;
	v59 =	vadd.f32 v54, v54  }
0xc5: {  	v61 =	vld [tilespmem:s31+$0x100];
	v2 =	vadd.f32 v34, v11;
	vm2 =	vgt.u32 v32, v21;
	v3 =	vmul.f32 v50, v3  }
0xc6: {  	[tilespmem:v37+s21+$0x0] =	vst.idx.msk vm1, v8;
	v7 =	vsub.f32 v15, v60;
	v0 =	vsel vm2, $0xFFFFFFFF, v1;
	vm2 =	vgt.u32 v40, v21  }
0xc7: {  	v17 =	vmovc v46;
	v2 =	vsub.f32 v2, v59;
	v3 =	vmul.f32 v3, v12;
	v6 =	vadd.f32 v57, v57  }
0xc8: {  	v60 =	vsub.f32 v24, v17;
	[tilespmem:v37+s22+$0x0] =	vst.idx.msk vm1, v7;
	vm1 =	vne.s32 v40, v21;
	v38 =	vsel vm2, $0xFFFFFFFF, v1  }
0xc9: {  	v45 =	vmul.f32 $5.000000000e-01, v2;
	[tilespmem:v39+s21+$0x0] =	vst.idx.msk vm4, v3;
	v3 =	vshra.s32 v2, $0x1;
	v6 =	vsub.f32 v44, v6  }
0xca: {  	v46 =	vadd.f32 v61, v61;
	v5 =	vadd.s32 s9, v38;
	v3 =	vsub.s32 $0x5F3759DF, v3  }
0xcb: {  	[tilespmem:v39+s22+$0x0] =	vst.idx.msk vm4, v33;
	v51 =	vmul.f32 v3, v45;
	v55 =	vshra.s32 v6, $0x1;
	v56 =	vmul.f32 $5.000000000e-01, v6  }
0xcc: {  	v54 =	vadd.s32 v53, v5;
	v5 =	vsub.f32 v62, v46;
	v50 =	vld [tilespmem:s1+$0x100];
	v8 =	vsub.s32 $0x5F3759DF, v55  }
0xcd: {  	v37 =	vadd.f32 v35, v22;
	v9 =	vmul.f32 v3, v51;
	v10 =	vmul.f32 v8, v56  }
0xce: {  	v11 =	vadd.f32 v58, v11;
	v12 =	vshra.s32 v5, $0x1;
	v14 =	vmul.f32 $5.000000000e-01, v5  }
0xcf: {  	v12 =	vsub.s32 $0x5F3759DF, v12;
	v9 =	vsub.f32 $1.500000000e+00, v9;
	v10 =	vmul.f32 v8, v10  }
0xd0: {  	v0 =	vadd.s32 s15, v0;
	vm4 =	vne.s32 v32, v19;
	v14 =	vmul.f32 v12, v14  }
0xd1: {  	v7 =	vadd.f32 v50, v50;
	v3 =	vmul.f32 v3, v9;
	v59 =	vsub.f32 $1.500000000e+00, v10  }
0xd2: {  	v30 =	vadd.s32 v53, v0;
	v57 =	vadd.s32 v48, v47;
	v0 =	vmul.f32 v12, v14  }
0xd3: {  	s6 =	sadd.s32 $0x4, s6;
	v40 =	vsub.f32 v11, v7;
	v2 =	vmul.f32 v3, v2;
	v3 =	vmul.f32 v8, v59  }
0xd4: {  	p1 =	slt.u32 s6, $0xFC;
	vm2 =	vne.s32 v28, v21;
	v38 =	vadd.f32 v34, v22;
	v0 =	vsub.f32 $1.500000000e+00, v0  }
.Ltmp0:
0xd5: {  	v61 =	vmul.f32 $5.000000000e-01, v40;
	[tilespmem:v4+s21+$0x0] =	vst.idx.msk vm6, v2;
	v2 =	vshra.s32 v40, $0x1;
	v3 =	vmul.f32 v3, v6;
	(pc) =	sbr.rel @p1 .LBB2_3-.Ltmp0, $4  }
0xd6: {  	v33 =	vsub.f32 v15, v29;
	[tilespmem:v4+s22+$0x0] =	vst.idx.msk vm6, v60;
	v32 =	vsub.s32 $0x5F3759DF, v2;
	v2 =	vsub.f32 v24, v41  }
0xd7: {  	v0 =	vmul.f32 v12, v0;
	v62 =	vmul.f32 v32, v61;
	[tilespmem:v57+s21+$0x0] =	vst.idx.msk vm4, v3  }
0xd8: {  	v63 =	vlaneseq.u32;
	v29 =	vsub.f32 v24, v29;
	v41 =	vadd.s32 v48, v43;
	v35 =	vld [tilespmem:s14+$0x180];
	[tilespmem:v57+s22+$0x0] =	vst.idx.msk vm4, v2  }
0xd9: {  	s13 =	sadd.s32 $0x100, s13;
	s9 =	sadd.s32 $0x40, s9;
	v43 =	vmul.f32 v0, v5;
	v44 =	vmul.f32 v32, v62;
	vm4 =	vne.s32 v36, v21;
	v34 =	vld [tilespmem:s12+$0x180]  }
0xda: {  	_ = 	snop  }
0xdb: {  	v0 =	vsub.f32 $1.500000000e+00, v44;
	_ =	sdelay $0x1  }
0xdc: {  	v0 =	vmul.f32 v32, v0;
	_ =	sdelay $0x1  }
0xdd: {  	[tilespmem:v27+s21+$0x0] =	vst.idx.msk vm5, v43;
	v0 =	vmul.f32 v0, v40  }
0xde: {  	[tilespmem:v27+s22+$0x0] =	vst.idx.msk vm5, v29  }
0xdf: {  	[tilespmem:v41+s21+$0x0] =	vst.idx.msk vm7, v0  }
0xe0: {  	v2 =	vld [tilespmem:s31+$0x180];
	[tilespmem:v41+s22+$0x0] =	vst.idx.msk vm7, v25  }
0xe1: {  	v6 =	vld [tilespmem:$0x1FF90];
	_ =	sdelay $0x3  }
0xe2: {  	v0 =	vadd.f32 v34, v34  }
0xe3: {  	v2 =	vadd.f32 v2, v2;
	v4 =	vadd.f32 v13, v6  }
0xe4: {  	v3 =	vld [tilespmem:s1+$0x180];
	v0 =	vsub.f32 v37, v0  }
0xe5: {  	v2 =	vsub.f32 v4, v2  }
0xe6: {  	v51 =	vshra.s32 v0, $0x1;
	v5 =	vmul.f32 $5.000000000e-01, v0  }
0xe7: {  	v4 =	vsub.s32 $0x5F3759DF, v51;
	v7 =	vshra.s32 v2, $0x1;
	v8 =	vmul.f32 $5.000000000e-01, v2  }
0xe8: {  	v9 =	vadd.f32 v35, v35;
	v5 =	vmul.f32 v4, v5;
	v7 =	vsub.s32 $0x5F3759DF, v7  }
0xe9: {  	v6 =	vadd.f32 v58, v6;
	v3 =	vadd.f32 v3, v3;
	v52 =	vmul.f32 v7, v8  }
0xea: {  	v55 =	vsub.f32 v38, v9;
	v5 =	vmul.f32 v4, v5  }
0xeb: {  	v3 =	vsub.f32 v6, v3;
	v6 =	vmul.f32 v7, v52  }
0xec: {  	v11 =	vshra.s32 v55, $0x1;
	v12 =	vmul.f32 $5.000000000e-01, v55;
	v5 =	vsub.f32 $1.500000000e+00, v5  }
0xed: {  	v56 =	vmul.f32 $5.000000000e-01, v3;
	v10 =	vshra.s32 v3, $0x1;
	v57 =	vsub.f32 $1.500000000e+00, v6  }
0xee: {  	v58 =	vadd.s32 v53, v42;
	v10 =	vsub.s32 $0x5F3759DF, v10;
	v4 =	vmul.f32 v4, v5  }
0xef: {  	v11 =	vsub.s32 $0x5F3759DF, v11;
	v9 =	vmul.f32 v10, v56;
	v5 =	vmul.f32 v7, v57  }
0xf0: {  	v12 =	vmul.f32 v11, v12;
	v0 =	vmul.f32 v4, v0  }
0xf1: {  	v9 =	vmul.f32 v10, v9;
	v2 =	vmul.f32 v5, v2  }
0xf2: {  	[tilespmem:v30+s21+$0x0] =	vst.idx.msk vm3, v0  }
0xf3: {  	v60 =	vmul.f32 v11, v12;
	v59 =	vsub.f32 $1.500000000e+00, v9;
	[tilespmem:v58+s21+$0x0] =	vst.idx.msk vm4, v2  }
0xf4: {  	[tilespmem:v58+s22+$0x0] =	vst.idx.msk vm4, v33  }
0xf5: {  	v61 =	vsub.f32 $1.500000000e+00, v60;
	v0 =	vmul.f32 v10, v59;
	v62 =	vld [tilespmem:$0x1FFA0];
	_ =	sdelay $0x1  }
0xf6: {  	v0 =	vmul.f32 v0, v3;
	v2 =	vmul.f32 v11, v61;
	_ =	sdelay $0x1  }
0xf7: {  	[tilespmem:v20+s21+$0x0] =	vst.idx.msk vm2, v0;
	v0 =	vmul.f32 v2, v55  }
0xf8: {  	s31 =	smul.u32 $0xFFF, s0;
	[tilespmem:v30+s22+$0x0] =	vst.idx.msk vm3, v26;
	v3 =	vsub.f32 v62, v23  }
0xf9: {  	p1 =	sne.s32 s30, $0xF;
	[tilespmem:v54+s21+$0x0] =	vst.idx.msk vm1, v0;
	v2 =	vsub.f32 v62, v17  }
.Ltmp1:
0xfa: {  	s29 =	sshrl.u32 s31, $0x3;
	[tilespmem:v20+s22+$0x0] =	vst.idx.msk vm2, v3;
	(pc) =	sbr.rel @p1 .LBB2_6-.Ltmp1, $4  }
0xfb: {  	s6 =	sadd.s32 s2, s29;
	[tilespmem:v54+s22+$0x0] =	vst.idx.msk vm1, v2  }
0xfc: {  	[hbm4b:s6+s5] =	stream.linear.scatter [tilespmem:s22], [sflag:$0x4], $0x3FF8, $0x38;
	[tilespmem:$0x1A000] =	vst v63  }
0xfd: {  	s1 =	sadd.s32 s4, s29  }
0xfe: {  	[hbm4b:s1+s5] =	stream.linear.scatter [tilespmem:s21], [sflag:$0x4], $0x3FF8, $0x38;
	[tilespmem:$0x1A000] =	vst v63  }
.Ltmp2:
0xff: {  	(pc) =	sbr.rel .LBB2_7-.Ltmp2, $4  }
0x100: {  	_ = 	snop  }
0x101: {  	_ =	swait.ge [sflag:s23], $0x4000  }
0x102: {  	[sflag:s23] =	ssyncset.done $0x0  }
0x103: {  	[sflag:s23] =	ssyncadd.s32 $0xFFFFC000  }
.LBB2_6:
0x104: {  	s1 =	rddreg [dreg:$0x8];
	s29 =	simm.s32 $0x200  }
.Ltmp3:
0x105: {  	s6 =	simm.s32 $0x2000;
	s1 =	sadd.s32 s3, s1;
	(pc) =	sbr.rel @p0 .LBB2_8-.Ltmp3, $4  }
0x106: {  	[tilespmem:s6], [sflag:$0x2] =	stream.strided.gather [hbm4b:s1+s29], $0x4000, s17, s29, $0x38;
	[tilespmem:$0x1A000] =	vst v63  }
0x107: {  	_ =	swait.ge [sflag:s23], $0x4000  }
0x108: {  	[sflag:s23] =	ssyncset.done $0x0  }
0x109: {  	[sflag:s23] =	ssyncadd.s32 $0xFFFFC000  }
.LBB2_7:
0x10a: {  	_ =	swait.ge [sflag:s24], $0x4000  }
0x10b: {  	[sflag:s24] =	ssyncset.done $0x0  }
0x10c: {  	[sflag:s24] =	ssyncadd.s32 $0xFFFFC000  }
0x10d: {  	_ =	swait.ge [sflag:s24], $0x4000  }
0x10e: {  	[sflag:s24] =	ssyncset.done $0x0  }
0x10f: {  	[sflag:s24] =	ssyncadd.s32 $0xFFFFC000  }
.LBB2_8:
0x110: {  	s3 =	simm.s32 $0x0  }
0x111: {  	s1 =	simm.s32 $0x30;
	s3 =	sand.u32 $0x3E00, s3  }
0x112: {  	s11 =	simm.s32 $0x0;
	v34 =	vld [tilespmem:$0x1FF20];
	s18 =	sand.u32 $0x70, s1;
	s12 =	sadd.s32 $0x6000, s3  }
0x113: {  	v29 =	vld [tilespmem:s11+$0x1030];
	s3 =	sor.u32 s18, s12  }
0x114: {  	v0 =	vld [tilespmem:s3+$0x0];
	_ =	sdelay $0x2  }
0x115: {  	v8 =	vbroadcast v34, $0x4;
	_ =	sdelay $0x1  }
0x116: {  	s6 =	sor.u32 $0x4, s0;
	s9 =	sor.u32 $0x5, s0;
	v2 =	vadd.f32 v29, v8;
	v0 =	vadd.f32 v0, v0  }
0x117: {  	s13 =	simm.s32 $0x10;
	v13 =	vadd.s32 $0x4, v63;
	v11 =	vmov s6;
	v12 =	vmov s9  }
0x118: {  	v7 =	vld [tilespmem:$0x1FF30];
	s9 =	simm.s32 $0x0;
	s6 =	simm.s32 $0x20;
	v24 =	vor.u32 s13, v63;
	v27 =	vor.u32 s1, v63;
	v0 =	vsub.f32 v2, v0  }
0x119: {  	v20 =	vld [tilespmem:s11+$0x1000];
	s14 =	sand.u32 $0x40, s9;
	v23 =	vor.u32 s6, v63;
	v28 =	vor.u32 s9, v63;
	vm1 =	vgt.u32 v24, v11  }
0x11a: {  	v30 =	vld [tilespmem:s11+$0x1010];
	s15 =	sor.u32 s14, s12;
	vm2 =	vgt.u32 v23, v11;
	v2 =	vshra.s32 v0, $0x1;
	v3 =	vmul.f32 $5.000000000e-01, v0  }
0x11b: {  	s16 =	sand.u32 $0x50, s13;
	vm3 =	vgt.u32 v28, v11;
	v6 =	vsel vm1, $0xFFFFFFFF, v1;
	v4 =	vld [tilespmem:s15+$0x0];
	v2 =	vsub.s32 $0x5F3759DF, v2  }
0x11c: {  	v21 =	vld [tilespmem:s11+$0x30];
	s18 =	sand.u32 $0x60, s6;
	s14 =	sor.u32 s16, s12;
	vm1 =	vgt.u32 v27, v11;
	vm4 =	vgt.u32 v28, v12;
	v3 =	vmul.f32 v2, v3  }
0x11d: {  	v5 =	vld [tilespmem:s14+$0x0];
	s12 =	sor.u32 s18, s12;
	v14 =	vsel vm2, $0xFFFFFFFF, v1;
	v16 =	vsel vm3, $0xFFFFFFFF, v1;
	v17 =	vsel vm1, $0xFFFFFFFF, v1  }
0x11e: {  	vm2 =	vne.s32 v27, v11;
	v6 =	vadd.s32 s13, v6;
	v15 =	vld [tilespmem:s12+$0x0];
	v3 =	vmul.f32 v2, v3  }
0x11f: {  	v31 =	vld [tilespmem:s11+$0x1020];
	vm1 =	vne.s32 v28, v11;
	vm3 =	vne.s32 v24, v11;
	v18 =	vadd.f32 v20, v8  }
0x120: {  	v17 =	vadd.s32 s1, v17;
	v4 =	vadd.f32 v4, v4;
	v3 =	vsub.f32 $1.500000000e+00, v3  }
0x121: {  	v9 =	vbroadcast v34, $0x5;
	v10 =	vbroadcast v7, $0x4;
	v17 =	vadd.s32 v13, v17  }
0x122: {  	v4 =	vsub.f32 v18, v4;
	v2 =	vmul.f32 v2, v3;
	v3 =	vadd.f32 v5, v5  }
0x123: {  	v52 =	vbroadcast v34, $0x6;
	v5 =	vadd.f32 v15, v15;
	v15 =	vadd.f32 v30, v8  }
0x124: {  	v19 =	vsub.f32 v10, v21;
	v22 =	vadd.f32 v31, v8;
	v0 =	vmul.f32 v2, v0  }
0x125: {  	v18 =	vmul.f32 $5.000000000e-01, v4;
	v2 =	vshra.s32 v4, $0x1;
	v3 =	vsub.f32 v15, v3  }
0x126: {  	v14 =	vadd.s32 s6, v14;
	v5 =	vsub.f32 v22, v5;
	v2 =	vsub.s32 $0x5F3759DF, v2;
	[tilespmem:v17+s25+$0x0] =	vst.idx.msk vm2, v0  }
0x127: {  	v0 =	vadd.s32 s9, v16;
	v15 =	vmul.f32 v2, v18;
	v16 =	vshra.s32 v3, $0x1;
	[tilespmem:v17+s26+$0x0] =	vst.idx.msk vm2, v19  }
0x128: {  	v25 =	vmul.f32 $5.000000000e-01, v5;
	v17 =	vmul.f32 $5.000000000e-01, v3;
	v19 =	vshra.s32 v5, $0x1;
	v18 =	vld [tilespmem:s3+$0x80]  }
0x129: {  	v16 =	vsub.s32 $0x5F3759DF, v16;
	v15 =	vmul.f32 v2, v15;
	v19 =	vsub.s32 $0x5F3759DF, v19  }
0x12a: {  	v32 =	vadd.f32 v20, v9;
	v17 =	vmul.f32 v16, v17;
	v26 =	vmul.f32 v19, v25  }
0x12b: {  	v6 =	vadd.s32 v13, v6;
	v39 =	vadd.f32 v31, v9;
	v22 =	vld [tilespmem:s11+$0x0];
	v15 =	vsub.f32 $1.500000000e+00, v15  }
0x12c: {  	v0 =	vadd.s32 v13, v0;
	v17 =	vmul.f32 v16, v17;
	v33 =	vmul.f32 v19, v26;
	v26 =	vld [tilespmem:s11+$0x20]  }
0x12d: {  	v2 =	vmul.f32 v2, v15;
	v15 =	vadd.f32 v29, v9;
	v18 =	vadd.f32 v18, v18  }
0x12e: {  	v47 =	vadd.f32 v20, v52;
	vm2 =	vne.s32 v23, v11;
	v25 =	vld [tilespmem:s11+$0x10];
	v17 =	vsub.f32 $1.500000000e+00, v17  }
0x12f: {  	v2 =	vmul.f32 v2, v4;
	v4 =	vsub.f32 v15, v18;
	v18 =	vsub.f32 $1.500000000e+00, v33  }
0x130: {  	v15 =	vsub.f32 v10, v22;
	v16 =	vmul.f32 v16, v17;
	v17 =	vadd.s32 v13, v14  }
0x131: {  	[tilespmem:v0+s25+$0x0] =	vst.idx.msk vm1, v2;
	v37 =	vsub.f32 v10, v26;
	v2 =	vshra.s32 v4, $0x1;
	v18 =	vmul.f32 v19, v18  }
0x132: {  	v14 =	vmul.f32 $5.000000000e-01, v4;
	v3 =	vmul.f32 v16, v3;
	[tilespmem:v0+s26+$0x0] =	vst.idx.msk vm1, v15;
	vm1 =	vgt.u32 v24, v12  }
0x133: {  	v15 =	vbroadcast v7, $0x5;
	v0 =	vsub.s32 $0x5F3759DF, v2;
	v2 =	vsub.f32 v10, v25;
	v19 =	vld [tilespmem:s15+$0x80]  }
0x134: {  	v16 =	vmul.f32 v0, v14;
	v5 =	vmul.f32 v18, v5;
	[tilespmem:v6+s25+$0x0] =	vst.idx.msk vm3, v3  }
0x135: {  	v38 =	vsel vm1, $0xFFFFFFFF, v1;
	vm1 =	vne.s32 v28, v12;
	[tilespmem:v6+s26+$0x0] =	vst.idx.msk vm3, v2;
	vm3 =	vgt.u32 v27, v12  }
0x136: {  	v3 =	vsel vm4, $0xFFFFFFFF, v1;
	v2 =	vmul.f32 v0, v16;
	v6 =	vld [tilespmem:s14+$0x80];
	[tilespmem:v17+s25+$0x0] =	vst.idx.msk vm2, v5;
	v5 =	vsel vm3, $0xFFFFFFFF, v1  }
0x137: {  	v35 =	vsub.f32 v15, v21;
	v16 =	vadd.s32 $0x1003, v63;
	[tilespmem:v17+s26+$0x0] =	vst.idx.msk vm2, v37;
	v5 =	vadd.s32 s1, v5  }
0x138: {  	vm2 =	vne.s32 v27, v12;
	v2 =	vsub.f32 $1.500000000e+00, v2;
	v17 =	vld [tilespmem:s12+$0x80];
	v18 =	vadd.f32 v19, v19  }
0x139: {  	v42 =	vsub.f32 v15, v22;
	v3 =	vadd.s32 s9, v3;
	v5 =	vadd.s32 v16, v5  }
0x13a: {  	vm3 =	vgt.u32 v23, v12;
	v0 =	vmul.f32 v0, v2;
	v18 =	vsub.f32 v32, v18  }
0x13b: {  	v3 =	vadd.s32 v16, v3;
	v19 =	vadd.f32 v30, v9;
	v6 =	vadd.f32 v6, v6  }
0x13c: {  	v0 =	vmul.f32 v0, v4;
	v4 =	vshra.s32 v18, $0x1;
	v32 =	vmul.f32 $5.000000000e-01, v18  }
0x13d: {  	v17 =	vadd.f32 v17, v17;
	v6 =	vsub.f32 v19, v6;
	v4 =	vsub.s32 $0x5F3759DF, v4  }
0x13e: {  	v14 =	vbroadcast v34, $0x7;
	v37 =	vadd.f32 v30, v52;
	[tilespmem:v5+s25+$0x0] =	vst.idx.msk vm2, v0;
	v19 =	vmul.f32 v4, v32  }
0x13f: {  	[tilespmem:v5+s26+$0x0] =	vst.idx.msk vm2, v35;
	v5 =	vsub.f32 v39, v17;
	v17 =	vshra.s32 v6, $0x1;
	v40 =	vmul.f32 $5.000000000e-01, v6  }
0x140: {  	v2 =	vsel vm3, $0xFFFFFFFF, v1;
	v41 =	vld [tilespmem:s3+$0x100];
	v17 =	vsub.s32 $0x5F3759DF, v17;
	v19 =	vmul.f32 v4, v19  }
0x141: {  	vm3 =	vne.s32 v23, v12;
	v2 =	vadd.s32 s6, v2;
	v32 =	vmul.f32 v17, v40  }
0x142: {  	v43 =	vshra.s32 v5, $0x1;
	v36 =	vmul.f32 $5.000000000e-01, v5;
	v19 =	vsub.f32 $1.500000000e+00, v19  }
0x143: {  	v2 =	vadd.s32 v16, v2;
	v35 =	vsub.s32 $0x5F3759DF, v43;
	v32 =	vmul.f32 v17, v32  }
0x144: {  	v36 =	vmul.f32 v35, v36;
	v4 =	vmul.f32 v4, v19;
	v19 =	vadd.f32 v29, v52  }
0x145: {  	v0 =	vadd.s32 s13, v38;
	v33 =	vadd.f32 v41, v41;
	v32 =	vsub.f32 $1.500000000e+00, v32  }
0x146: {  	vm2 =	vne.s32 v24, v12;
	v29 =	vadd.f32 v29, v14;
	v36 =	vmul.f32 v35, v36  }
0x147: {  	v4 =	vmul.f32 v4, v18;
	v33 =	vsub.f32 v19, v33;
	v17 =	vmul.f32 v17, v32  }
0x148: {  	v0 =	vadd.s32 v16, v0;
	v19 =	vsub.f32 v15, v25;
	v18 =	vsub.f32 $1.500000000e+00, v36  }
0x149: {  	s19 =	sor.u32 $0x6, s0;
	[tilespmem:v3+s25+$0x0] =	vst.idx.msk vm1, v4;
	v4 =	vshra.s32 v33, $0x1;
	v44 =	vmul.f32 $5.000000000e-01, v33;
	v6 =	vmul.f32 v17, v6  }
0x14a: {  	v45 =	vmul.f32 v35, v18;
	v17 =	vbroadcast v7, $0x6;
	v18 =	vmov s19  }
0x14b: {  	[tilespmem:v3+s26+$0x0] =	vst.idx.msk vm1, v42;
	v42 =	vadd.f32 v31, v14;
	v3 =	vsub.s32 $0x5F3759DF, v4;
	v4 =	vsub.f32 v15, v26  }
0x14c: {  	vm1 =	vgt.u32 v28, v18;
	vm4 =	vgt.u32 v27, v18;
	v32 =	vmul.f32 v3, v44  }
0x14d: {  	v46 =	vld [tilespmem:s15+$0x100];
	[tilespmem:v0+s25+$0x0] =	vst.idx.msk vm2, v6;
	v5 =	vmul.f32 v45, v5;
	v38 =	vsub.f32 v17, v21  }
0x14e: {  	v49 =	vsel vm1, $0xFFFFFFFF, v1;
	vm1 =	vne.s32 v23, v18;
	[tilespmem:v0+s26+$0x0] =	vst.idx.msk vm2, v19;
	vm2 =	vgt.u32 v24, v18  }
0x14f: {  	v19 =	vadd.s32 $0x2002, v63;
	v34 =	vadd.s32 s9, v49;
	v0 =	vmul.f32 v3, v32;
	v6 =	vld [tilespmem:s14+$0x100]  }
0x150: {  	[tilespmem:v2+s25+$0x0] =	vst.idx.msk vm3, v5;
	v5 =	vsel vm4, $0xFFFFFFFF, v1;
	vm4 =	vgt.u32 v23, v18;
	v34 =	vadd.s32 v19, v34  }
0x151: {  	[tilespmem:v2+s26+$0x0] =	vst.idx.msk vm3, v4;
	v2 =	vadd.s32 s1, v5;
	vm3 =	vne.s32 v27, v18;
	v0 =	vsub.f32 $1.500000000e+00, v0  }
0x152: {  	v5 =	vadd.f32 v31, v52;
	v4 =	vadd.f32 v46, v46;
	v48 =	vld [tilespmem:s12+$0x100];
	v2 =	vadd.s32 v19, v2  }
0x153: {  	v50 =	vsel vm4, $0xFFFFFFFF, v1;
	v46 =	vadd.f32 v30, v14;
	v0 =	vmul.f32 v3, v0  }
0x154: {  	v35 =	vadd.s32 s6, v50;
	v3 =	vsub.f32 v47, v4;
	v6 =	vadd.f32 v6, v6  }
0x155: {  	v59 =	vadd.s32 v19, v35;
	v4 =	vsel vm2, $0xFFFFFFFF, v1;
	v0 =	vmul.f32 v0, v33  }
0x156: {  	v51 =	vshra.s32 v3, $0x1;
	v36 =	vmul.f32 $5.000000000e-01, v3;
	v6 =	vsub.f32 v37, v6  }
0x157: {  	vm2 =	vne.s32 v24, v18;
	v33 =	vsub.s32 $0x5F3759DF, v51;
	v32 =	vadd.f32 v48, v48;
	[tilespmem:v2+s25+$0x0] =	vst.idx.msk vm3, v0  }
0x158: {  	v0 =	vmul.f32 v33, v36;
	[tilespmem:v2+s26+$0x0] =	vst.idx.msk vm3, v38;
	v2 =	vshra.s32 v6, $0x1;
	v53 =	vmul.f32 $5.000000000e-01, v6  }
0x159: {  	v4 =	vadd.s32 s13, v4;
	v5 =	vsub.f32 v5, v32;
	v54 =	vld [tilespmem:s3+$0x180];
	v2 =	vsub.s32 $0x5F3759DF, v2  }
0x15a: {  	vm3 =	vne.s32 v28, v18;
	v0 =	vmul.f32 v33, v0;
	s3 =	simm.s32 $0x70;
	v36 =	vmul.f32 v2, v53  }
0x15b: {  	v55 =	vshra.s32 v5, $0x1;
	v56 =	vmul.f32 $5.000000000e-01, v5;
	v40 =	vor.u32 s3, v63  }
0x15c: {  	v0 =	vsub.f32 $1.500000000e+00, v0;
	v37 =	vsub.s32 $0x5F3759DF, v55;
	v36 =	vmul.f32 v2, v36  }
0x15d: {  	v4 =	vadd.s32 v19, v4;
	vm10 =	vgt.u32 v40, v11;
	v38 =	vmul.f32 v37, v56  }
0x15e: {  	v0 =	vmul.f32 v33, v0;
	v32 =	vadd.f32 v54, v54;
	v57 =	vsub.f32 $1.500000000e+00, v36  }
0x15f: {  	vm15 =	vne.s32 v40, v11;
	v44 =	vsel vm10, $0xFFFFFFFF, v1;
	v58 =	vmul.f32 v37, v38  }
0x160: {  	v0 =	vmul.f32 v0, v3;
	v29 =	vsub.f32 v29, v32;
	v2 =	vmul.f32 v2, v57  }
0x161: {  	v44 =	vadd.s32 s3, v44;
	v3 =	vsub.f32 v17, v22;
	v60 =	vsub.f32 $1.500000000e+00, v58  }
0x162: {  	s28 =	simm.s32 $0x100;
	[tilespmem:v34+s25+$0x0] =	vst.idx.msk vm3, v0;
	v0 =	vshra.s32 v29, $0x1;
	v61 =	vmul.f32 $5.000000000e-01, v29;
	v2 =	vmul.f32 v2, v6  }
0x163: {  	s29 =	sand.u32 $0x3E00, s28;
	s11 =	simm.s32 $0x40;
	[tilespmem:v34+s26+$0x0] =	vst.idx.msk vm3, v3;
	v3 =	vsub.f32 v17, v25;
	v33 =	vmul.f32 v37, v60;
	v0 =	vsub.s32 $0x5F3759DF, v0  }
0x164: {  	s19 =	sor.u32 $0x7, s0;
	s18 =	sand.u32 $0x70, s3;
	v49 =	vadd.s32 v13, v44;
	v34 =	vld [tilespmem:s15+$0x180];
	s15 =	sadd.s32 $0x6000, s29;
	v35 =	vmul.f32 v0, v61;
	[tilespmem:v4+s25+$0x0] =	vst.idx.msk vm2, v2  }
0x165: {  	v37 =	vld [tilespmem:s11+$0x1030];
	s18 =	sor.u32 s18, s15;
	v2 =	vmul.f32 v33, v5;
	v5 =	vadd.f32 v20, v14;
	v20 =	vmov s19;
	[tilespmem:v4+s26+$0x0] =	vst.idx.msk vm2, v3  }
0x166: {  	v3 =	vld [tilespmem:s18+$0x0];
	v4 =	vsub.f32 v17, v26;
	vm7 =	vgt.u32 v28, v20;
	vm6 =	vgt.u32 v24, v20  }
0x167: {  	vm5 =	vgt.u32 v23, v20;
	vm3 =	vgt.u32 v27, v20;
	v62 =	vmul.f32 v0, v35;
	v45 =	vld [tilespmem:s14+$0x180]  }
0x168: {  	v6 =	vbroadcast v7, $0x7;
	vm4 =	vne.s32 v27, v20;
	vm2 =	vne.s32 v24, v20;
	[tilespmem:v59+s25+$0x0] =	vst.idx.msk vm1, v2  }
0x169: {  	s14 =	simm.s32 $0x60;
	vm2 =	vmmov vm2;
	[tilespmem:v59+s26+$0x0] =	vst.idx.msk vm1, v4;
	vm1 =	vne.s32 v28, v20;
	v2 =	vsub.f32 $1.500000000e+00, v62  }
0x16a: {  	v27 =	vld [tilespmem:s11+$0x1000];
	v31 =	vor.u32 s14, v63;
	v60 =	vadd.f32 v37, v9;
	v30 =	vadd.f32 v34, v34  }
0x16b: {  	v4 =	vld [tilespmem:s12+$0x180];
	s12 =	simm.s32 $0x40;
	v0 =	vmul.f32 v0, v2;
	v2 =	vadd.f32 v37, v8;
	v3 =	vadd.f32 v3, v3  }
0x16c: {  	s0 =	simm.s32 $0x50;
	v35 =	vld [tilespmem:s11+$0x1020];
	vm8 =	vgt.u32 v31, v11;
	s29 =	sand.u32 $0x40, s12;
	v36 =	vsub.f32 v5, v30;
	v5 =	vadd.f32 v45, v45  }
0x16d: {  	s28 =	sand.u32 $0x50, s0;
	v34 =	vld [tilespmem:s11+$0x1010];
	vm14 =	vne.s32 v31, v11;
	v33 =	vor.u32 s12, v63;
	s29 =	sor.u32 s29, s15;
	v2 =	vsub.f32 v2, v3  }
0x16e: {  	s28 =	sor.u32 s28, s15;
	v61 =	vsel vm8, $0xFFFFFFFF, v1;
	vm8 =	vne.s32 v23, v20;
	v28 =	vsub.f32 v46, v5;
	v5 =	vld [tilespmem:s29+$0x0]  }
0x16f: {  	s19 =	sand.u32 $0x60, s14;
	v30 =	vmul.f32 v0, v29;
	v0 =	vld [tilespmem:s28+$0x0];
	v24 =	vshra.s32 v2, $0x1;
	v47 =	vmul.f32 $5.000000000e-01, v2  }
0x170: {  	s15 =	sor.u32 s19, s15;
	v39 =	vadd.f32 v27, v8;
	vm11 =	vgt.u32 v33, v11;
	v24 =	vsub.s32 $0x5F3759DF, v24  }
0x171: {  	vm12 =	vne.s32 v33, v11;
	v48 =	vld [tilespmem:s15+$0x0];
	v50 =	vadd.f32 v35, v8;
	v32 =	vmul.f32 v24, v47  }
0x172: {  	v3 =	vshra.s32 v36, $0x1;
	v29 =	vor.u32 s0, v63;
	v4 =	vadd.f32 v4, v4  }
0x173: {  	v43 =	vadd.f32 v34, v8;
	v41 =	vmul.f32 v24, v32;
	v5 =	vadd.f32 v5, v5  }
0x174: {  	vm9 =	vgt.u32 v29, v11;
	v42 =	vsub.f32 v42, v4;
	v0 =	vadd.f32 v0, v0  }
0x175: {  	vm13 =	vne.s32 v29, v11;
	v32 =	vld [tilespmem:s11+$0x30];
	v41 =	vsub.f32 $1.500000000e+00, v41;
	v5 =	vsub.f32 v39, v5  }
0x176: {  	v38 =	vadd.f32 v48, v48;
	v47 =	vsel vm9, $0xFFFFFFFF, v1;
	v0 =	vsub.f32 v43, v0  }
0x177: {  	v24 =	vmul.f32 v24, v41;
	v51 =	vshra.s32 v5, $0x1;
	v53 =	vmul.f32 $5.000000000e-01, v5  }
0x178: {  	v43 =	vsub.f32 v50, v38;
	v46 =	vmul.f32 $5.000000000e-01, v0;
	v41 =	vsub.s32 $0x5F3759DF, v51  }
0x179: {  	[tilespmem:$0x1FEC0] =	vst v8;
	v45 =	vshra.s32 v0, $0x1;
	v2 =	vmul.f32 v24, v2;
	v44 =	vmul.f32 v41, v53  }
0x17a: {  	v55 =	vadd.s32 s0, v47;
	v38 =	vld [tilespmem:s11+$0x0];
	v54 =	vsub.f32 v10, v32;
	v24 =	vsub.s32 $0x5F3759DF, v45  }
0x17b: {  	v39 =	vld [tilespmem:s11+$0x10];
	v58 =	vshra.s32 v43, $0x1;
	v46 =	vmul.f32 v24, v46;
	[tilespmem:v49+s25+$0x0] =	vst.idx.msk vm15, v2;
	v44 =	vmul.f32 v41, v44  }
0x17c: {  	v48 =	vmul.f32 $5.000000000e-01, v43;
	v47 =	vsub.s32 $0x5F3759DF, v58;
	v2 =	vsel vm11, $0xFFFFFFFF, v1;
	[tilespmem:v49+s26+$0x0] =	vst.idx.msk vm15, v54  }
0x17d: {  	v2 =	vadd.s32 s12, v2;
	v56 =	vmul.f32 v24, v46;
	v57 =	vld [tilespmem:s18+$0x80];
	v44 =	vsub.f32 $1.500000000e+00, v44  }
0x17e: {  	v59 =	vmul.f32 v47, v48;
	v48 =	vadd.s32 s14, v61;
	v2 =	vadd.s32 v13, v2  }
0x17f: {  	v45 =	vadd.s32 v13, v55;
	v49 =	vsub.f32 $1.500000000e+00, v56;
	v41 =	vmul.f32 v41, v44  }
0x180: {  	v62 =	vsub.f32 v10, v38;
	v53 =	vsub.f32 v10, v39;
	v44 =	vmul.f32 v47, v59  }
0x181: {  	v59 =	vadd.f32 v34, v9;
	v24 =	vmul.f32 v24, v49;
	v5 =	vmul.f32 v41, v5  }
0x182: {  	vm15 =	vgt.u32 v40, v12;
	v44 =	vsub.f32 $1.500000000e+00, v44;
	v46 =	vadd.f32 v57, v57  }
0x183: {  	v0 =	vmul.f32 v24, v0;
	v24 =	vsub.s32 $0x5F3759DF, v3;
	v57 =	vadd.f32 v27, v9;
	[tilespmem:v2+s25+$0x0] =	vst.idx.msk vm12, v5  }
0x184: {  	v41 =	vld [tilespmem:s11+$0x20];
	v3 =	vmul.f32 v47, v44;
	v44 =	vmul.f32 $5.000000000e-01, v36;
	v5 =	vsub.f32 v60, v46;
	[tilespmem:v2+s26+$0x0] =	vst.idx.msk vm12, v62  }
0x185: {  	v2 =	vadd.s32 v13, v48;
	[tilespmem:v45+s25+$0x0] =	vst.idx.msk vm13, v0;
	v46 =	vshra.s32 v28, $0x1;
	v60 =	vsel vm15, $0xFFFFFFFF, v1  }
0x186: {  	vm12 =	vne.s32 v40, v12;
	vm15 =	vgt.u32 v31, v12;
	v54 =	vld [tilespmem:s29+$0x80];
	v3 =	vmul.f32 v3, v43  }
0x187: {  	[tilespmem:v45+s26+$0x0] =	vst.idx.msk vm13, v53;
	v61 =	vadd.s32 s3, v60;
	v0 =	vshra.s32 v5, $0x1;
	v55 =	vmul.f32 $5.000000000e-01, v5  }
0x188: {  	vm13 =	vgt.u32 v33, v12;
	v44 =	vmul.f32 v24, v44;
	v23 =	vld [tilespmem:s28+$0x80];
	v0 =	vsub.s32 $0x5F3759DF, v0  }
0x189: {  	v60 =	vsub.f32 v15, v38;
	v58 =	vsub.f32 v10, v41;
	v56 =	vmul.f32 v0, v55  }
0x18a: {  	v46 =	vsub.s32 $0x5F3759DF, v46;
	v43 =	vadd.s32 v16, v61;
	v44 =	vmul.f32 v24, v44;
	[tilespmem:v2+s25+$0x0] =	vst.idx.msk vm14, v3  }
0x18b: {  	v45 =	vmul.f32 v0, v56;
	v3 =	vadd.f32 v54, v54;
	v54 =	vsub.f32 v15, v32  }
0x18c: {  	[tilespmem:v2+s26+$0x0] =	vst.idx.msk vm14, v58;
	vm14 =	vgt.u32 v29, v12;
	v56 =	vsel vm13, $0xFFFFFFFF, v1;
	vm13 =	vne.s32 v29, v12  }
0x18d: {  	v62 =	vld [tilespmem:s15+$0x80];
	v23 =	vadd.f32 v23, v23;
	v58 =	vsel vm14, $0xFFFFFFFF, v1;
	v2 =	vsub.f32 $1.500000000e+00, v45  }
0x18e: {  	vm14 =	vne.s32 v31, v12;
	v3 =	vsub.f32 v57, v3;
	v49 =	vadd.s32 s0, v58  }
0x18f: {  	v23 =	vsub.f32 v59, v23;
	v59 =	vsel vm15, $0xFFFFFFFF, v1;
	v0 =	vmul.f32 v0, v2  }
0x190: {  	v49 =	vadd.s32 v16, v49;
	v2 =	vadd.f32 v35, v9;
	v4 =	vshra.s32 v3, $0x1  }
0x191: {  	v47 =	vmul.f32 $5.000000000e-01, v3;
	v4 =	vsub.s32 $0x5F3759DF, v4;
	v0 =	vmul.f32 v0, v5  }
0x192: {  	[tilespmem:$0x1FED0] =	vst v9;
	v53 =	vmul.f32 $5.000000000e-01, v23;
	v5 =	vshra.s32 v23, $0x1;
	v45 =	vadd.f32 v62, v62  }
0x193: {  	vm15 =	vgt.u32 v40, v18;
	v5 =	vsub.s32 $0x5F3759DF, v5;
	[tilespmem:v43+s25+$0x0] =	vst.idx.msk vm12, v0;
	v0 =	vmul.f32 v4, v47  }
0x194: {  	v55 =	vmul.f32 $5.000000000e-01, v28;
	v48 =	vmul.f32 v5, v53;
	v2 =	vsub.f32 v2, v45;
	[tilespmem:v43+s26+$0x0] =	vst.idx.msk vm12, v54  }
0x195: {  	v43 =	vadd.s32 s12, v56;
	vm12 =	vne.s32 v33, v12;
	v57 =	vld [tilespmem:s18+$0x100];
	v0 =	vmul.f32 v4, v0  }
0x196: {  	v48 =	vmul.f32 v5, v48;
	v50 =	vshra.s32 v2, $0x1;
	v51 =	vmul.f32 $5.000000000e-01, v2  }
0x197: {  	v54 =	vsub.f32 v15, v39;
	v50 =	vsub.s32 $0x5F3759DF, v50;
	v0 =	vsub.f32 $1.500000000e+00, v0  }
0x198: {  	v43 =	vadd.s32 v16, v43;
	v48 =	vsub.f32 $1.500000000e+00, v48;
	v51 =	vmul.f32 v50, v51  }
0x199: {  	v56 =	vsub.f32 v15, v41;
	v0 =	vmul.f32 v4, v0;
	v4 =	vadd.f32 v37, v52  }
0x19a: {  	v5 =	vmul.f32 v5, v48;
	v51 =	vmul.f32 v50, v51;
	v45 =	vadd.f32 v57, v57  }
0x19b: {  	v48 =	vadd.s32 s14, v59;
	v59 =	vadd.f32 v27, v52;
	v0 =	vmul.f32 v0, v3  }
0x19c: {  	v51 =	vsub.f32 $1.500000000e+00, v51;
	v5 =	vmul.f32 v5, v23;
	v4 =	vsub.f32 v4, v45  }
0x19d: {  	v37 =	vadd.f32 v37, v14;
	v48 =	vadd.s32 v16, v48;
	v57 =	vsel vm15, $0xFFFFFFFF, v1;
	[tilespmem:v43+s25+$0x0] =	vst.idx.msk vm12, v0  }
0x19e: {  	v3 =	vmul.f32 v50, v51;
	[tilespmem:v49+s25+$0x0] =	vst.idx.msk vm13, v5;
	v61 =	vshra.s32 v4, $0x1;
	v62 =	vmul.f32 $5.000000000e-01, v4  }
0x19f: {  	vm15 =	vgt.u32 v31, v20;
	[tilespmem:v43+s26+$0x0] =	vst.idx.msk vm12, v60;
	v43 =	vmul.f32 v46, v55;
	v0 =	vsub.s32 $0x5F3759DF, v61  }
0x1a0: {  	v55 =	vshra.s32 v42, $0x1;
	[tilespmem:v49+s26+$0x0] =	vst.idx.msk vm13, v54;
	v2 =	vmul.f32 v3, v2;
	v3 =	vld [tilespmem:s29+$0x100];
	v23 =	vmul.f32 v0, v62  }
0x1a1: {  	vm12 =	vne.s32 v40, v18;
	v60 =	vadd.f32 v34, v52;
	vm13 =	vgt.u32 v33, v18;
	v58 =	vld [tilespmem:s28+$0x100]  }
0x1a2: {  	v34 =	vadd.f32 v34, v14;
	v45 =	vsel vm13, $0xFFFFFFFF, v1;
	v5 =	vmul.f32 v0, v23  }
0x1a3: {  	v47 =	vsub.s32 $0x5F3759DF, v55;
	v61 =	vsub.f32 v17, v32;
	v45 =	vadd.s32 s12, v45;
	[tilespmem:v48+s25+$0x0] =	vst.idx.msk vm14, v2  }
0x1a4: {  	v45 =	vadd.s32 v19, v45;
	v23 =	vmul.f32 $5.000000000e-01, v42;
	[tilespmem:v48+s26+$0x0] =	vst.idx.msk vm14, v56;
	v2 =	vsub.f32 $1.500000000e+00, v5  }
0x1a5: {  	vm14 =	vgt.u32 v29, v20;
	v48 =	vld [tilespmem:s15+$0x100];
	v5 =	vadd.s32 s3, v57;
	v3 =	vadd.f32 v3, v3  }
0x1a6: {  	v49 =	vadd.f32 v58, v58;
	v5 =	vadd.s32 v19, v5;
	v0 =	vmul.f32 v0, v2  }
0x1a7: {  	v2 =	vmul.f32 v47, v23;
	v23 =	vsub.f32 $1.500000000e+00, v44;
	v3 =	vsub.f32 v59, v3  }
0x1a8: {  	v44 =	vsub.f32 v60, v49;
	v60 =	vsel vm7, $0xFFFFFFFF, v1;
	vm7 =	vne.s32 v33, v18  }
0x1a9: {  	v0 =	vmul.f32 v0, v4;
	v4 =	vadd.f32 v35, v52;
	v62 =	vshra.s32 v3, $0x1  }
0x1aa: {  	v54 =	vadd.f32 v48, v48;
	v2 =	vmul.f32 v47, v2;
	v57 =	vmul.f32 v24, v23  }
0x1ab: {  	[tilespmem:$0x1FEE0] =	vst v52;
	v23 =	vshra.s32 v44, $0x1;
	v24 =	vmul.f32 $5.000000000e-01, v44;
	v48 =	vadd.s32 s9, v60  }
0x1ac: {  	v60 =	vadd.f32 v35, v14;
	v35 =	vsub.f32 v6, v38;
	[tilespmem:v5+s25+$0x0] =	vst.idx.msk vm12, v0;
	v0 =	vmul.f32 $5.000000000e-01, v3  }
0x1ad: {  	v55 =	vsub.s32 $0x5F3759DF, v62;
	v23 =	vsub.s32 $0x5F3759DF, v23;
	v62 =	vsub.f32 v17, v38  }
0x1ae: {  	v4 =	vsub.f32 v4, v54;
	v24 =	vmul.f32 v23, v24;
	v0 =	vmul.f32 v55, v0  }
0x1af: {  	v2 =	vsub.f32 $1.500000000e+00, v2;
	v50 =	vmul.f32 v57, v36;
	[tilespmem:v5+s26+$0x0] =	vst.idx.msk vm12, v61;
	v5 =	vmul.f32 v46, v43  }
0x1b0: {  	v61 =	vsel vm6, $0xFFFFFFFF, v1;
	v56 =	vld [tilespmem:s18+$0x180];
	v43 =	vshra.s32 v4, $0x1;
	v0 =	vmul.f32 v55, v0  }
0x1b1: {  	v58 =	vmul.f32 $5.000000000e-01, v4;
	v24 =	vmul.f32 v23, v24;
	v5 =	vsub.f32 $1.500000000e+00, v5  }
0x1b2: {  	vm6 =	vgt.u32 v40, v20;
	v43 =	vsub.s32 $0x5F3759DF, v43;
	v0 =	vsub.f32 $1.500000000e+00, v0  }
0x1b3: {  	v24 =	vsub.f32 $1.500000000e+00, v24;
	v5 =	vmul.f32 v46, v5;
	v46 =	vmul.f32 v43, v58  }
0x1b4: {  	v2 =	vmul.f32 v47, v2;
	v47 =	vadd.s32 s13, v61;
	v0 =	vmul.f32 v55, v0  }
0x1b5: {  	v24 =	vmul.f32 v23, v24;
	v59 =	vadd.f32 v56, v56;
	v46 =	vmul.f32 v43, v46  }
0x1b6: {  	v0 =	vmul.f32 v0, v3;
	v3 =	vsel vm5, $0xFFFFFFFF, v1;
	vm5 =	vgt.u32 v29, v18  }
0x1b7: {  	v52 =	vmul.f32 v24, v44;
	v46 =	vsub.f32 $1.500000000e+00, v46;
	v24 =	vsel vm5, $0xFFFFFFFF, v1  }
0x1b8: {  	[tilespmem:v45+s25+$0x0] =	vst.idx.msk vm7, v0;
	v0 =	vsel vm3, $0xFFFFFFFF, v1;
	v53 =	vadd.s32 s0, v24;
	vm3 =	vne.s32 v29, v18  }
0x1b9: {  	v58 =	vsub.f32 v6, v21;
	v37 =	vsub.f32 v37, v59;
	v54 =	vadd.s32 v19, v53  }
0x1ba: {  	v23 =	vadd.s32 $0x3001, v63;
	v44 =	vmul.f32 v5, v28;
	v43 =	vmul.f32 v43, v46  }
0x1bb: {  	vm5 =	vgt.u32 v31, v18;
	v5 =	vshra.s32 v37, $0x1;
	v24 =	vsub.f32 v6, v22  }
0x1bc: {  	v22 =	vsub.f32 v6, v25;
	v25 =	vsub.f32 v6, v26;
	v26 =	vmul.f32 $5.000000000e-01, v37  }
0x1bd: {  	v5 =	vsub.s32 $0x5F3759DF, v5;
	[tilespmem:v45+s26+$0x0] =	vst.idx.msk vm7, v62;
	v45 =	vmul.f32 v2, v42;
	v2 =	vsub.f32 v17, v39  }
0x1be: {  	v28 =	vsel vm5, $0xFFFFFFFF, v1;
	v0 =	vadd.s32 s1, v0;
	v55 =	vld [tilespmem:s29+$0x180];
	v56 =	vmul.f32 v5, v26;
	[tilespmem:v54+s25+$0x0] =	vst.idx.msk vm3, v52  }
0x1bf: {  	vm5 =	vne.s32 v31, v18;
	v0 =	vadd.s32 v23, v0;
	[tilespmem:v54+s26+$0x0] =	vst.idx.msk vm3, v2;
	v2 =	vadd.s32 s14, v28  }
0x1c0: {  	v3 =	vadd.s32 s6, v3;
	v36 =	vmul.f32 v5, v56;
	v2 =	vadd.s32 v19, v2  }
0x1c1: {  	v59 =	vsub.f32 v17, v41;
	v21 =	vadd.s32 v23, v3;
	v4 =	vmul.f32 v43, v4  }
0x1c2: {  	vm7 =	vne.s32 v40, v20;
	v40 =	vsub.f32 v6, v39;
	v36 =	vsub.f32 $1.500000000e+00, v36  }
0x1c3: {  	v26 =	vadd.s32 v23, v48;
	v28 =	vadd.f32 v27, v14;
	v57 =	vadd.f32 v55, v55;
	v3 =	vld [tilespmem:s28+$0x180]  }
0x1c4: {  	v62 =	vsel vm14, $0xFFFFFFFF, v1;
	v27 =	vadd.s32 v23, v47;
	[tilespmem:v0+s25+$0x0] =	vst.idx.msk vm4, v30;
	v5 =	vmul.f32 v5, v36  }
0x1c5: {  	vm3 =	vmmov vm1;
	vm1 =	vmmov vm8;
	vm8 =	vgt.u32 v33, v20;
	[tilespmem:v2+s25+$0x0] =	vst.idx.msk vm5, v4  }
0x1c6: {  	v30 =	vadd.s32 s0, v62;
	v4 =	vmul.f32 v5, v37;
	v5 =	vsel vm6, $0xFFFFFFFF, v1;
	[tilespmem:v2+s26+$0x0] =	vst.idx.msk vm5, v59  }
0x1c7: {  	[tilespmem:v0+s26+$0x0] =	vst.idx.msk vm4, v58;
	v36 =	vsub.f32 v6, v41;
	v42 =	vadd.s32 v23, v30;
	v5 =	vadd.s32 s3, v5;
	v61 =	vld [tilespmem:s15+$0x180]  }
0x1c8: {  	vm4 =	vne.s32 v31, v20;
	v3 =	vadd.f32 v3, v3;
	v5 =	vadd.s32 v23, v5  }
0x1c9: {  	v28 =	vsub.f32 v28, v57;
	v2 =	vsel vm8, $0xFFFFFFFF, v1;
	vm5 =	vne.s32 v29, v20  }
0x1ca: {  	v29 =	vsub.f32 v34, v3;
	v3 =	vsel vm15, $0xFFFFFFFF, v1;
	v2 =	vadd.s32 s12, v2  }
0x1cb: {  	vm6 =	vne.s32 v33, v20;
	v0 =	vadd.s32 s14, v3;
	v39 =	vadd.s32 v23, v2  }
0x1cc: {  	[tilespmem:v26+s25+$0x0] =	vst.idx.msk vm3, v50;
	v2 =	vsub.f32 v6, v32;
	v32 =	vmul.f32 $5.000000000e-01, v28;
	v3 =	vadd.f32 v61, v61  }
0x1cd: {  	v38 =	vadd.s32 v23, v0;
	v0 =	vshra.s32 v28, $0x1;
	v33 =	vshra.s32 v29, $0x1;
	[tilespmem:v5+s25+$0x0] =	vst.idx.msk vm7, v4  }
0x1ce: {  	s1 =	simm.s32 $0x200;
	s0 =	simm.s32 $0x4;
	v31 =	vmul.f32 $5.000000000e-01, v29;
	v34 =	vsub.s32 $0x5F3759DF, v0;
	[tilespmem:v5+s26+$0x0] =	vst.idx.msk vm7, v2;
	v30 =	vsub.f32 v60, v3  }
.LBB2_9:
0x1cf: {  	s6 =	sand.u32 $0x3E00, s1;
	s3 =	sadd.s32 $0x40, s3  }
0x1d0: {  	s11 =	sshra.s32 s1, $0x2;
	v7 =	vld [tilespmem:$0x1FEC0];
	v0 =	vmul.f32 v34, v32;
	s12 =	sadd.s32 $0x6000, s6;
	s13 =	sand.u32 $0x70, s3  }
0x1d1: {  	v37 =	vsub.s32 $0x5F3759DF, v33;
	[tilespmem:v26+s26+$0x0] =	vst.idx.msk vm3, v24;
	v24 =	vmov v35;
	v35 =	vld [tilespmem:s11+$0x1030];
	s28 =	sor.u32 s13, s12  }
0x1d2: {  	[tilespmem:v27+s25+$0x0] =	vst.idx.msk vm2, v44;
	v43 =	vmul.f32 v37, v31;
	v48 =	vmul.f32 v34, v0;
	v0 =	vld [tilespmem:s28+$0x0]  }
0x1d3: {  	v2 =	vshra.s32 v30, $0x1;
	v3 =	vmul.f32 $5.000000000e-01, v30;
	s9 =	sadd.s32 $0xFFFFFFE0, s3;
	s19 =	sadd.s32 $0xFFFFFFF0, s3;
	[tilespmem:v27+s26+$0x0] =	vst.idx.msk vm2, v22;
	v27 =	vmovc v42;
	v42 =	vor.u32 s3, v63  }
0x1d4: {  	v26 =	vmovc v39;
	[tilespmem:v21+s25+$0x0] =	vst.idx.msk vm1, v45;
	s14 =	sadd.s32 $0xFFFFFFD0, s3;
	v39 =	vsub.s32 $0x5F3759DF, v2;
	v32 =	vor.u32 s9, v63;
	v31 =	vor.u32 s19, v63  }
0x1d5: {  	v45 =	vld [tilespmem:s11+$0x1000];
	[tilespmem:v21+s26+$0x0] =	vst.idx.msk vm1, v25;
	v33 =	vor.u32 s14, v63;
	vm9 =	vgt.u32 v42, v11;
	vm12 =	vne.s32 v42, v11  }
0x1d6: {  	s29 =	sand.u32 $0x50, s9;
	v46 =	vld [tilespmem:s11+$0x1010];
	vm10 =	vgt.u32 v42, v12;
	vm14 =	vne.s32 v42, v12;
	v44 =	vmul.f32 v39, v3  }
0x1d7: {  	s15 =	sand.u32 $0x40, s14;
	v47 =	vld [tilespmem:s11+$0x1020];
	s13 =	sor.u32 s29, s12;
	vm2 =	vgt.u32 v32, v11;
	v60 =	vadd.f32 v35, v7;
	v0 =	vadd.f32 v0, v0  }
0x1d8: {  	s16 =	sand.u32 $0x60, s19;
	vm3 =	vgt.u32 v31, v11;
	s15 =	sor.u32 s15, s12;
	vm1 =	vgt.u32 v33, v11;
	vm7 =	vne.s32 v32, v11;
	v2 =	vld [tilespmem:s13+$0x0]  }
0x1d9: {  	s12 =	sor.u32 s16, s12;
	vm8 =	vgt.u32 v33, v12;
	v58 =	vsel vm9, $0xFFFFFFFF, v1;
	v5 =	vld [tilespmem:s15+$0x0];
	v0 =	vsub.f32 v60, v0  }
0x1da: {  	vm13 =	vgt.u32 v31, v18;
	vm15 =	vgt.u32 v31, v20;
	v3 =	vsel vm2, $0xFFFFFFFF, v1;
	v41 =	vld [tilespmem:s12+$0x0]  }
0x1db: {  	v59 =	vsel vm1, $0xFFFFFFFF, v1;
	v52 =	vshra.s32 v0, $0x1;
	v53 =	vmul.f32 $5.000000000e-01, v0  }
0x1dc: {  	vm2 =	vne.s32 v33, v11;
	vm1 =	vne.s32 v31, v11;
	v54 =	vsub.s32 $0x5F3759DF, v52  }
0x1dd: {  	v61 =	vadd.f32 v45, v7;
	v62 =	vadd.f32 v46, v7;
	v53 =	vmul.f32 v54, v53  }
0x1de: {  	v58 =	vadd.s32 s3, v58;
	v2 =	vadd.f32 v2, v2;
	v5 =	vadd.f32 v5, v5  }
0x1df: {  	v55 =	vadd.f32 v47, v7;
	v41 =	vadd.f32 v41, v41;
	v53 =	vmul.f32 v54, v53  }
0x1e0: {  	v50 =	vadd.s32 s14, v59;
	v5 =	vsub.f32 v61, v5;
	v2 =	vsub.f32 v62, v2  }
0x1e1: {  	v58 =	vadd.s32 v13, v58;
	v55 =	vsub.f32 v55, v41;
	v41 =	vld [tilespmem:s11+$0x30];
	v53 =	vsub.f32 $1.500000000e+00, v53  }
0x1e2: {  	v56 =	vshra.s32 v5, $0x1;
	v57 =	vmul.f32 $5.000000000e-01, v5;
	v59 =	vshra.s32 v2, $0x1  }
0x1e3: {  	v60 =	vmul.f32 $5.000000000e-01, v2;
	v61 =	vshra.s32 v55, $0x1;
	v53 =	vmul.f32 v54, v53  }
0x1e4: {  	v62 =	vmul.f32 $5.000000000e-01, v55;
	v54 =	vsub.s32 $0x5F3759DF, v56;
	v56 =	vsub.s32 $0x5F3759DF, v59  }
0x1e5: {  	v59 =	vsub.s32 $0x5F3759DF, v61;
	v57 =	vmul.f32 v54, v57;
	v0 =	vmul.f32 v53, v0  }
0x1e6: {  	v9 =	vld [tilespmem:$0x1FED0];
	v25 =	vmovc v36;
	v53 =	vmul.f32 v56, v60;
	v60 =	vmul.f32 v59, v62;
	v62 =	vsub.f32 v10, v41  }
0x1e7: {  	v4 =	vsel vm3, $0xFFFFFFFF, v1;
	vm3 =	vgt.u32 v32, v12;
	v57 =	vmul.f32 v54, v57;
	[tilespmem:v58+s25+$0x0] =	vst.idx.msk vm12, v0  }
0x1e8: {  	v36 =	vld [tilespmem:s11+$0x0];
	v51 =	vsel vm8, $0xFFFFFFFF, v1;
	vm8 =	vgt.u32 v31, v12;
	v0 =	vmul.f32 v56, v53;
	[tilespmem:v58+s26+$0x0] =	vst.idx.msk vm12, v62  }
0x1e9: {  	v3 =	vadd.s32 s9, v3;
	v4 =	vadd.s32 s19, v4;
	v57 =	vsub.f32 $1.500000000e+00, v57;
	v62 =	vld [tilespmem:s28+$0x80]  }
0x1ea: {  	v8 =	vadd.s32 s14, v51;
	v50 =	vadd.s32 v13, v50;
	v0 =	vsub.f32 $1.500000000e+00, v0  }
0x1eb: {  	v22 =	vmovc v40;
	v40 =	vld [tilespmem:s11+$0x10];
	v49 =	vadd.f32 v45, v9;
	v53 =	vmul.f32 v59, v60;
	v54 =	vmul.f32 v54, v57  }
0x1ec: {  	v3 =	vadd.s32 v13, v3;
	v4 =	vadd.s32 v13, v4;
	v0 =	vmul.f32 v56, v0  }
0x1ed: {  	v21 =	vmovc v38;
	v38 =	vld [tilespmem:s11+$0x20];
	v61 =	vsub.f32 v10, v36;
	v53 =	vsub.f32 $1.500000000e+00, v53;
	v5 =	vmul.f32 v54, v5  }
0x1ee: {  	v0 =	vmul.f32 v0, v2;
	v2 =	vadd.f32 v35, v9;
	v62 =	vadd.f32 v62, v62  }
0x1ef: {  	v48 =	vsub.f32 $1.500000000e+00, v48;
	v8 =	vadd.s32 v16, v8;
	v59 =	vmul.f32 v59, v53;
	[tilespmem:v50+s25+$0x0] =	vst.idx.msk vm2, v5  }
0x1f0: {  	v63 =	vsub.f32 v10, v40;
	v7 =	vsel vm3, $0xFFFFFFFF, v1;
	[tilespmem:v50+s26+$0x0] =	vst.idx.msk vm2, v61;
	v2 =	vsub.f32 v2, v62  }
0x1f1: {  	vm3 =	vmmov vm6;
	vm6 =	vne.s32 v33, v12;
	v51 =	vmul.f32 v59, v55;
	[tilespmem:v3+s25+$0x0] =	vst.idx.msk vm7, v0  }
0x1f2: {  	v58 =	vsub.f32 v10, v38;
	v56 =	vld [tilespmem:s15+$0x80];
	[tilespmem:v3+s26+$0x0] =	vst.idx.msk vm7, v63;
	v3 =	vshra.s32 v2, $0x1;
	v59 =	vmul.f32 $5.000000000e-01, v2  }
0x1f3: {  	v7 =	vadd.s32 s9, v7;
	v60 =	vsel vm8, $0xFFFFFFFF, v1;
	[tilespmem:v4+s25+$0x0] =	vst.idx.msk vm1, v51;
	v3 =	vsub.s32 $0x5F3759DF, v3  }
0x1f4: {  	v7 =	vadd.s32 v16, v7;
	v54 =	vadd.s32 s19, v60;
	[tilespmem:v4+s26+$0x0] =	vst.idx.msk vm1, v58;
	v60 =	vld [tilespmem:s13+$0x80];
	v4 =	vmul.f32 v3, v59  }
0x1f5: {  	v52 =	vadd.f32 v46, v9;
	vm8 =	vgt.u32 v33, v18;
	v57 =	vadd.f32 v47, v9;
	v58 =	vld [tilespmem:s12+$0x80]  }
0x1f6: {  	v55 =	vsub.f32 v15, v40;
	v5 =	vsub.f32 v15, v36;
	v4 =	vmul.f32 v3, v4  }
0x1f7: {  	v0 =	vsub.f32 v15, v38;
	v63 =	vsel vm10, $0xFFFFFFFF, v1;
	v56 =	vadd.f32 v56, v56  }
0x1f8: {  	vm2 =	vmmov vm5;
	v59 =	vadd.s32 s3, v63;
	v4 =	vsub.f32 $1.500000000e+00, v4  }
0x1f9: {  	v59 =	vadd.s32 v16, v59;
	v49 =	vsub.f32 v49, v56;
	v56 =	vadd.f32 v60, v60  }
0x1fa: {  	vm5 =	vne.s32 v31, v12;
	v58 =	vadd.f32 v58, v58;
	v3 =	vmul.f32 v3, v4  }
0x1fb: {  	vm7 =	vne.s32 v32, v12;
	v60 =	vmul.f32 $5.000000000e-01, v49;
	v52 =	vsub.f32 v52, v56  }
0x1fc: {  	v56 =	vsub.f32 v57, v58;
	v4 =	vshra.s32 v49, $0x1;
	v2 =	vmul.f32 v3, v2  }
0x1fd: {  	v9 =	vld [tilespmem:$0x1FEE0];
	v4 =	vsub.s32 $0x5F3759DF, v4;
	v57 =	vmul.f32 $5.000000000e-01, v52;
	v3 =	vshra.s32 v52, $0x1  }
0x1fe: {  	v58 =	vsub.f32 v15, v41;
	v3 =	vsub.s32 $0x5F3759DF, v3;
	[tilespmem:v59+s25+$0x0] =	vst.idx.msk vm14, v2;
	v2 =	vmul.f32 v4, v60  }
0x1ff: {  	v61 =	vshra.s32 v56, $0x1;
	v62 =	vmul.f32 $5.000000000e-01, v56;
	v57 =	vmul.f32 v3, v57  }
0x200: {  	vm1 =	vmmov vm4;
	v60 =	vsub.s32 $0x5F3759DF, v61;
	[tilespmem:v59+s26+$0x0] =	vst.idx.msk vm14, v58;
	v2 =	vmul.f32 v4, v2  }
0x201: {  	v58 =	vmul.f32 v60, v62;
	v59 =	vadd.s32 v16, v54;
	v54 =	vld [tilespmem:s28+$0x100];
	v57 =	vmul.f32 v3, v57  }
0x202: {  	vm4 =	vgt.u32 v32, v18;
	v53 =	vadd.f32 v45, v9;
	v2 =	vsub.f32 $1.500000000e+00, v2  }
0x203: {  	v50 =	vadd.f32 v46, v9;
	v58 =	vmul.f32 v60, v58;
	v57 =	vsub.f32 $1.500000000e+00, v57  }
0x204: {  	v51 =	vadd.f32 v47, v9;
	v61 =	vsel vm8, $0xFFFFFFFF, v1;
	v2 =	vmul.f32 v4, v2  }
0x205: {  	vm8 =	vne.s32 v33, v18;
	v58 =	vsub.f32 $1.500000000e+00, v58;
	v3 =	vmul.f32 v3, v57  }
0x206: {  	v4 =	vadd.f32 v35, v9;
	v54 =	vadd.f32 v54, v54;
	v2 =	vmul.f32 v2, v49  }
0x207: {  	v62 =	vsel vm4, $0xFFFFFFFF, v1;
	vm4 =	vne.s32 v31, v18;
	v3 =	vmul.f32 v3, v52  }
0x208: {  	v63 =	vsel vm13, $0xFFFFFFFF, v1;
	v60 =	vmul.f32 v60, v58;
	v4 =	vsub.f32 v4, v54;
	[tilespmem:v8+s25+$0x0] =	vst.idx.msk vm6, v2  }
0x209: {  	v63 =	vadd.s32 s19, v63;
	v9 =	vsub.f32 v17, v36;
	v35 =	vadd.f32 v35, v14;
	[tilespmem:v7+s25+$0x0] =	vst.idx.msk vm7, v3  }
0x20a: {  	v56 =	vmul.f32 v60, v56;
	v2 =	vshra.s32 v4, $0x1;
	v57 =	vmul.f32 $5.000000000e-01, v4;
	[tilespmem:v8+s26+$0x0] =	vst.idx.msk vm6, v5  }
0x20b: {  	v58 =	vsub.f32 v17, v40;
	v40 =	vsub.f32 v6, v40;
	[tilespmem:v7+s26+$0x0] =	vst.idx.msk vm7, v55;
	v2 =	vsub.s32 $0x5F3759DF, v2;
	v5 =	vld [tilespmem:s15+$0x100]  }
0x20c: {  	v61 =	vadd.s32 s14, v61;
	v52 =	vadd.f32 v45, v14;
	[tilespmem:v59+s25+$0x0] =	vst.idx.msk vm5, v56;
	v3 =	vmul.f32 v2, v57  }
0x20d: {  	v62 =	vadd.s32 s9, v62;
	v49 =	vadd.f32 v46, v14;
	v46 =	vadd.f32 v47, v14;
	v7 =	vld [tilespmem:s13+$0x100];
	[tilespmem:v59+s26+$0x0] =	vst.idx.msk vm5, v0  }
0x20e: {  	v45 =	vadd.s32 v19, v61;
	vm7 =	vgt.u32 v42, v18;
	v59 =	vld [tilespmem:s12+$0x100];
	v3 =	vmul.f32 v2, v3  }
0x20f: {  	v61 =	vsub.f32 v17, v41;
	v0 =	vsel vm7, $0xFFFFFFFF, v1;
	vm5 =	vne.s32 v42, v18  }
0x210: {  	v0 =	vadd.s32 s3, v0;
	v3 =	vsub.f32 $1.500000000e+00, v3;
	v5 =	vadd.f32 v5, v5  }
0x211: {  	v54 =	vsub.f32 v17, v38;
	v8 =	vmul.f32 v37, v43;
	v0 =	vadd.s32 v19, v0  }
0x212: {  	v2 =	vmul.f32 v2, v3;
	v3 =	vsub.f32 v53, v5;
	v5 =	vadd.f32 v7, v7  }
0x213: {  	v47 =	vadd.s32 v19, v62;
	v8 =	vsub.f32 $1.500000000e+00, v8;
	v43 =	vadd.f32 v59, v59  }
0x214: {  	v7 =	vmul.f32 v39, v44;
	v2 =	vmul.f32 v2, v4;
	v5 =	vsub.f32 v50, v5  }
0x215: {  	v4 =	vmul.f32 v34, v48;
	v60 =	vshra.s32 v3, $0x1;
	v62 =	vmul.f32 $5.000000000e-01, v3  }
0x216: {  	v34 =	vsub.s32 $0x5F3759DF, v60;
	[tilespmem:v0+s25+$0x0] =	vst.idx.msk vm5, v2;
	v2 =	vsub.f32 v51, v43;
	v53 =	vmul.f32 $5.000000000e-01, v5  }
0x217: {  	v51 =	vshra.s32 v5, $0x1;
	[tilespmem:v0+s26+$0x0] =	vst.idx.msk vm5, v61;
	v0 =	vmul.f32 v37, v8;
	v8 =	vmul.f32 v34, v62  }
0x218: {  	v37 =	vsub.s32 $0x5F3759DF, v51;
	v44 =	vld [tilespmem:s28+$0x180];
	v56 =	vshra.s32 v2, $0x1;
	v57 =	vmul.f32 $5.000000000e-01, v2  }
0x219: {  	v43 =	vmul.f32 v37, v53;
	v8 =	vmul.f32 v34, v8;
	v48 =	vsub.s32 $0x5F3759DF, v56  }
0x21a: {  	vm6 =	vne.s32 v32, v18;
	v55 =	vadd.s32 v19, v63;
	v50 =	vmul.f32 v48, v57  }
0x21b: {  	v63 =	vlaneseq.u32;
	v59 =	vmul.f32 v37, v43;
	v8 =	vsub.f32 $1.500000000e+00, v8  }
0x21c: {  	vm7 =	vgt.u32 v32, v20;
	v7 =	vsub.f32 $1.500000000e+00, v7;
	v60 =	vmul.f32 v48, v50  }
0x21d: {  	v61 =	vsub.f32 $1.500000000e+00, v59;
	v44 =	vadd.f32 v44, v44;
	v8 =	vmul.f32 v34, v8  }
0x21e: {  	v7 =	vmul.f32 v39, v7;
	vm5 =	vgt.u32 v33, v20;
	v43 =	vsub.f32 $1.500000000e+00, v60  }
0x21f: {  	v53 =	vsub.f32 v35, v44;
	v3 =	vmul.f32 v8, v3;
	v8 =	vmul.f32 v37, v61  }
0x220: {  	v4 =	vmul.f32 v4, v28;
	v62 =	vsel vm5, $0xFFFFFFFF, v1;
	v57 =	vmul.f32 v48, v43  }
0x221: {  	v59 =	vshra.s32 v53, $0x1;
	v60 =	vmul.f32 $5.000000000e-01, v53;
	[tilespmem:v45+s25+$0x0] =	vst.idx.msk vm8, v3;
	v3 =	vmul.f32 v8, v5  }
0x222: {  	vm5 =	vgt.u32 v42, v20;
	v56 =	vsel vm7, $0xFFFFFFFF, v1;
	v8 =	vsub.s32 $0x5F3759DF, v59;
	[tilespmem:v45+s26+$0x0] =	vst.idx.msk vm8, v9  }
0x223: {  	v9 =	vadd.s32 s14, v62;
	v2 =	vmul.f32 v57, v2;
	v61 =	vmul.f32 v8, v60;
	v62 =	vld [tilespmem:s15+$0x180];
	[tilespmem:v47+s25+$0x0] =	vst.idx.msk vm6, v3  }
0x224: {  	vm7 =	vne.s32 v42, v20;
	v44 =	vmul.f32 v0, v29;
	v5 =	vsel vm15, $0xFFFFFFFF, v1;
	[tilespmem:v47+s26+$0x0] =	vst.idx.msk vm6, v58  }
0x225: {  	v35 =	vsub.f32 v6, v36;
	v0 =	vadd.s32 s19, v5;
	[tilespmem:v55+s25+$0x0] =	vst.idx.msk vm4, v2;
	v5 =	vmul.f32 v8, v61;
	v29 =	vld [tilespmem:s13+$0x180]  }
0x226: {  	v36 =	vsub.f32 v6, v38;
	v45 =	vmul.f32 v7, v30;
	v2 =	vsel vm5, $0xFFFFFFFF, v1;
	[tilespmem:v55+s26+$0x0] =	vst.idx.msk vm4, v54  }
0x227: {  	v3 =	vadd.s32 s9, v56;
	v2 =	vadd.s32 s3, v2;
	v7 =	vld [tilespmem:s12+$0x180];
	v5 =	vsub.f32 $1.500000000e+00, v5  }
0x228: {  	s0 =	sadd.s32 $0x4, s0;
	v39 =	vadd.s32 v23, v9;
	v2 =	vadd.s32 v23, v2;
	v28 =	vadd.f32 v62, v62  }
0x229: {  	p0 =	slt.u32 s0, $0xFC;
	v38 =	vadd.s32 v23, v0;
	v42 =	vadd.s32 v23, v3;
	v5 =	vmul.f32 v8, v5  }
.Ltmp4:
0x22a: {  	vm6 =	vne.s32 v33, v20;
	v28 =	vsub.f32 v52, v28;
	v0 =	vadd.f32 v29, v29;
	(pc) =	sbr.rel @p0 .LBB2_9-.Ltmp4, $4  }
0x22b: {  	vm5 =	vne.s32 v32, v20;
	v3 =	vmul.f32 v5, v53;
	v5 =	vsub.f32 v6, v41  }
0x22c: {  	[tilespmem:v26+s25+$0x0] =	vst.idx.msk vm3, v4;
	v8 =	vshra.s32 v28, $0x1;
	v29 =	vsub.f32 v49, v0;
	v0 =	vadd.f32 v7, v7  }
0x22d: {  	vm4 =	vne.s32 v31, v20;
	v32 =	vmul.f32 $5.000000000e-01, v28;
	[tilespmem:v2+s25+$0x0] =	vst.idx.msk vm7, v3;
	v34 =	vsub.s32 $0x5F3759DF, v8  }
0x22e: {  	s1 =	sadd.s32 $0x100, s1;
	[tilespmem:v2+s26+$0x0] =	vst.idx.msk vm7, v5;
	v33 =	vshra.s32 v29, $0x1;
	v31 =	vmul.f32 $5.000000000e-01, v29;
	v30 =	vsub.f32 v46, v0  }
0x22f: {  	v0 =	vmul.f32 v34, v32  }
0x230: {  	v2 =	vsub.s32 $0x5F3759DF, v33;
	v4 =	vmul.f32 $5.000000000e-01, v30  }
0x231: {  	v3 =	vshra.s32 v30, $0x1;
	v5 =	vmul.f32 v2, v31;
	v0 =	vmul.f32 v34, v0  }
0x232: {  	vm6 =	vmmov vm6;
	v3 =	vsub.s32 $0x5F3759DF, v3  }
0x233: {  	v4 =	vmul.f32 v3, v4;
	v5 =	vmul.f32 v2, v5;
	v0 =	vsub.f32 $1.500000000e+00, v0  }
0x234: {  	[tilespmem:v26+s26+$0x0] =	vst.idx.msk vm3, v24  }
0x235: {  	[tilespmem:v27+s25+$0x0] =	vst.idx.msk vm2, v44;
	v4 =	vmul.f32 v3, v4;
	v5 =	vsub.f32 $1.500000000e+00, v5;
	v0 =	vmul.f32 v34, v0  }
0x236: {  	[tilespmem:v21+s25+$0x0] =	vst.idx.msk vm1, v45  }
0x237: {  	[tilespmem:v27+s26+$0x0] =	vst.idx.msk vm2, v22;
	v2 =	vmul.f32 v2, v5;
	v4 =	vsub.f32 $1.500000000e+00, v4;
	v0 =	vmul.f32 v0, v28  }
0x238: {  	[tilespmem:v21+s26+$0x0] =	vst.idx.msk vm1, v25  }
0x239: {  	v3 =	vmul.f32 v3, v4;
	v2 =	vmul.f32 v2, v29;
	[tilespmem:v39+s25+$0x0] =	vst.idx.msk vm6, v0  }
0x23a: {  	[tilespmem:v39+s26+$0x0] =	vst.idx.msk vm6, v35  }
0x23b: {  	v61 =	vmul.f32 v3, v30;
	[tilespmem:v42+s25+$0x0] =	vst.idx.msk vm5, v2  }
0x23c: {  	[tilespmem:v42+s26+$0x0] =	vst.idx.msk vm5, v40  }
0x23d: {  	[tilespmem:v38+s25+$0x0] =	vst.idx.msk vm4, v61  }
0x23e: {  	[tilespmem:v38+s26+$0x0] =	vst.idx.msk vm4, v36  }
0x23f: {  	v62 =	vadd.s32 $0xFFFFFFF8, v63;
	v0 =	vld [tilespmem:$0xDFF0];
	_ =	sdelay $0x4  }
0x240: {  	[tilespmem:v62+s26+$0x0] =	vst.idx.msk vm0, v0  }
0x241: {  	v0 =	vld [tilespmem:$0x11FF0];
	_ =	sdelay $0x1  }
0x242: {  	s30 =	sadd.s32 $0x1, s30  }
0x243: {  	s0 =	sadd.s32 $0x3FF8, s31;
	p0 =	sne.s32 s30, $0x10  }
.Ltmp5:
0x244: {  	s0 =	sshrl.u32 s0, $0x3;
	(pc) =	sbr.rel @p0 .LBB2_2-.Ltmp5, $4  }
0x245: {  	s1 =	sadd.s32 s2, s0;
	[tilespmem:v62+s25+$0x0] =	vst.idx.msk vm0, v0  }
0x246: {  	v53 =	vld [tilespmem:$0x1FFF0];
	[hbm4b:s1+s5] =	stream.linear.scatter [tilespmem:s26], [sflag:$0x5], $0x4000, $0x38  }
0x247: {  	s0 =	sadd.s32 s4, s0;
	v52 =	vld [tilespmem:$0x1FFD0]  }
0x248: {  	vm3 =	vmmov vm5;
	vm2 =	vmmov vm4;
	v9 =	vld [tilespmem:$0x1FFE0];
	[hbm4b:s0+s5] =	stream.linear.scatter [tilespmem:s25], [sflag:$0x5], $0x4000, $0x38  }
0x249: {  	s0 =	simm.s32 $0x4  }
0x24a: {  	_ =	swait.ge [sflag:s0], $0x3FF8  }
0x24b: {  	[sflag:s0] =	ssyncset.done $0x0  }
0x24c: {  	[sflag:s0] =	ssyncadd.s32 $0xFFFFC008  }
0x24d: {  	_ =	swait.ge [sflag:s0], $0x3FF8  }
0x24e: {  	[sflag:s0] =	ssyncset.done $0x0  }
0x24f: {  	[sflag:s0] =	ssyncadd.s32 $0xFFFFC008  }
0x250: {  	_ =	swait.ge [sflag:s24], $0x4000  }
0x251: {  	[sflag:s24] =	ssyncset.done $0x0  }
0x252: {  	[sflag:s24] =	ssyncadd.s32 $0xFFFFC000  }
0x253: {  	_ =	swait.ge [sflag:s24], $0x4000  }
0x254: {  	s1 =	rddreg [dreg:$0xa]  }
0x255: {  	s31 =	rddreg [dreg:$0x9];
	s1 =	sadd.s32 $0x1, s1  }
0x256: {  	p0 =	sne.s32 s1, s31  }
.Ltmp6:
0x257: {  	_ = 	snop;
	(pc) =	sbr.rel @p0 .LBB2_1-.Ltmp6, $3  }
0x258: {  	_ =	sdelay $0x1  }
0x259: {  	[sflag:s24] =	ssyncset.done $0x0  }
0x25a: {  	[sflag:s24] =	ssyncadd.s32 $0xFFFFC000  }
0x25b: {  	_ =	sfence.sel $0x180000  }
0x25c: {  	[bflag:$0x0] =	sbarrier.arrive $0xFFFF  }
0x25d: {  	_ =	strace $0x90000047  }
0x25e: {  	s0 =	stileid.u32;
	[bflag:$0x2] =	sbarrier.arrive $0xFFFF  }
0x25f: {  	p0 =	sne.s32 s0, $0x0;
	s0 =	rddreg [dreg:$0x5]  }
0x260: {  	s0 =	sadd.s32 @!p0 $0x100000, s0  }
0x261: {  	[sflag:s0] =	ssyncadd.tile.s32 @!p0 $0x1;
	_ =	shalt  }
.Lfunc_end2:
_tile_overlayer_lowered:
.L_overlay_start_2:
0x262: {  	(tag) =	ssettag $0x2  }
0x263: {  	s0 =	rddreg [dreg:$0x0];
	s2 =	stileid.u32  }
0x264: {  	s1 =	rddreg [dreg:$0x1];
	p0 =	sne.s32 s2, $0x0  }
0x265: {  	s3 =	rddreg [dreg:$0x2];
	[bflag:$0x3] =	sbarrier.arrive $0xFFFF;
	s2 =	simm.s32 @!p0 $0x1C06  }
0x266: {  	[timem:s3], [sflag:s2] =	dma.local @!p0 [hbm:s0], s1  }
0x267: {  	s0 =	simm.s32 @!p0 $0x6  }
0x268: {  	_ =	swait.ge @!p0 [sflag:s0], s1  }
0x269: {  	s1 =	ssub.s32 @!p0 $0x0, s1;
	[sflag:s0] =	ssyncset.done @!p0 $0x0  }
0x26a: {  	[sflag:s0] =	ssyncadd.s32 @!p0 s1  }
0x26b: {  	[bflag:$0x3] =	sbarrier.arrive $0xFFFF  }
0x26c: {  	_ =	shalt  }

</sc_bundles>
